<compile_context>
chip_gen: v7x
topology: tpu7x:2x2x1
jax: 0.10.2.dev20260603
libtpu: 0.0.44.dev20260713+nightly
codegen_flags: <defaults>
</compile_context>

<pallas_src>
import functools

import jax
import jax.numpy as jnp
from jax import lax
from jax.experimental import pallas as pl
from jax.experimental.pallas import tpu as pltpu
from jax.experimental.pallas import tpu_sc as plsc

N_P, N_L, N_ALL, N_E = 8000, 2000, 10000, 160000
B, HID, PF, LF, T = 16, 128, 27, 13, 1000

N_TAB = 10240
PAD_IDX = 10112
PAD_LOCAL = PAD_IDX - N_P
NC, NS, NW = 2, 16, 32
CHUNK = 128
NCH = 40
E_PAD = NW * NCH * CHUNK
E_PER_TILE = NCH * CHUNK
G16 = E_PER_TILE // 16
CBUF = E_PER_TILE
ACC_ROWS = 2304
LIG_ROWS = N_TAB - N_P
ROWS_PER_TILE = LIG_ROWS // NS
EBLK = 512
NCHB = E_PER_TILE // EBLK


def _node_tables_kernel(ppos_ref, pv_ref, bp_ref, lpos_ref, lv_ref, bl_ref,
                        tf_ref, Wp_ref, bpv_ref, Wl_ref, blv_ref,
                        We1a_ref, We1c_ref, be1_ref,
                        ta_ref, tc_ref, tx_ref, hlig_ref):
    bp = bp_ref[...]
    ohp = (bp == lax.broadcasted_iota(jnp.int32, (N_P, B), 1)).astype(jnp.float32)
    ppos = ppos_ref[...]
    seg = lax.dot_general(ohp, ppos, (((0,), (0,)), ((), ())))
    cnt = lax.dot_general(ohp, jnp.ones((N_P, 1), jnp.float32),
                          (((0,), (0,)), ((), ())))
    offset = seg / jnp.maximum(cnt, 1.0)
    bl = bl_ref[...]
    ohl = (bl == lax.broadcasted_iota(jnp.int32, (N_L, B), 1)).astype(jnp.float32)
    pc = ppos - ohp @ offset
    lc = lpos_ref[...] - ohl @ offset

    h_p = pv_ref[...] @ Wp_ref[...] + bpv_ref[...]
    onehot = (lv_ref[...] == lax.broadcasted_iota(jnp.int32, (N_L, LF), 1)
              ).astype(jnp.float32)
    tfeat = ohl @ tf_ref[...]
    lig_feat = jnp.concatenate([onehot, tfeat], axis=1)
    h_l = lig_feat @ Wl_ref[...] + blv_ref[...]

    We1a = We1a_ref[...]
    We1c = We1c_ref[...]
    a_p = h_p @ We1a[:127] + be1_ref[...]
    c_p = h_p @ We1c[:127]
    a_l = h_l @ We1a[:127] + We1a[127:128] + be1_ref[...]
    c_l = h_l @ We1c[:127] + We1c[127:128]

    ta_ref[0:N_P, :] = a_p
    ta_ref[N_P:N_ALL, :] = a_l
    ta_ref[N_ALL:N_TAB, :] = jnp.zeros((N_TAB - N_ALL, HID), jnp.float32)
    tc_ref[0:N_P, :] = c_p
    tc_ref[N_P:N_ALL, :] = c_l
    tc_ref[N_ALL:N_TAB, :] = jnp.zeros((N_TAB - N_ALL, HID), jnp.float32)
    tx_ref[0:N_P, :] = jnp.concatenate(
        [pc, jnp.zeros((N_P, 13), jnp.float32)], axis=1)
    tx_ref[N_P:N_ALL, :] = jnp.concatenate(
        [lc, jnp.zeros((N_L, 13), jnp.float32)], axis=1)
    tx_ref[N_ALL:N_TAB, :] = jnp.zeros((N_TAB - N_ALL, 16), jnp.float32)
    hlig_ref[...] = jnp.concatenate(
        [h_l, jnp.ones((N_L, 1), jnp.float32)], axis=1)


def _sc_gather_kernel(ta, tc_t, tx, src_i, dst_i, slotv, counts,
                      a_out, c_out, xs_out, xd_out, dstc_out,
                      sraw, draw, slotbuf, scmp, dcmp, idxs_v, idxd_v,
                      abuf, cbuf, xsbuf, xdbuf, cnt_v, sem):
    wid = lax.axis_index("s") * NC + lax.axis_index("c")
    base = wid * E_PER_TILE
    pltpu.sync_copy(src_i.at[pl.ds(base, E_PER_TILE)], sraw)
    pltpu.sync_copy(dst_i.at[pl.ds(base, E_PER_TILE)], draw)
    pltpu.sync_copy(slotv.at[pl.ds(base, E_PER_TILE)], slotbuf)
    pltpu.sync_copy(counts.at[wid], cnt_v)
    cnt = jnp.max(cnt_v[...])

    def compact(i, carry):
        dv = draw[pl.ds(i * 16, 16)]
        sv = sraw[pl.ds(i * 16, 16)]
        pv = slotbuf[pl.ds(i * 16, 16)]
        dl = dv - N_P
        neg = lax.shift_right_logical(dl, 31)
        dval = dl + neg * (PAD_LOCAL - dl)
        sval = sv + neg * (PAD_IDX - sv)
        plsc.store_scatter(dcmp, [pv], dval)
        plsc.store_scatter(scmp, [pv], sval)
        return carry

    lax.fori_loop(0, G16, compact, 0)
    pltpu.sync_copy(dcmp.at[pl.ds(0, E_PER_TILE)],
                    dstc_out.at[pl.ds(base, E_PER_TILE)])

    def body(i, carry):
        @pl.when(i * CHUNK < cnt)
        def _():
            off = i * CHUNK
            for g in range(CHUNK // 16):
                idxs_v[pl.ds(g * 16, 16)] = scmp[pl.ds(off + g * 16, 16)]
                idxd_v[pl.ds(g * 16, 16)] = dcmp[pl.ds(off + g * 16, 16)] + N_P
            d_a = pltpu.async_copy(ta.at[idxs_v], abuf, sem)
            d_c = pltpu.async_copy(tc_t.at[idxd_v], cbuf, sem)
            d_xs = pltpu.async_copy(tx.at[idxs_v], xsbuf, sem)
            d_xd = pltpu.async_copy(tx.at[idxd_v], xdbuf, sem)
            d_a.wait(); d_c.wait(); d_xs.wait(); d_xd.wait()
            pltpu.sync_copy(abuf, a_out.at[pl.ds(base + off, CHUNK)])
            pltpu.sync_copy(cbuf, c_out.at[pl.ds(base + off, CHUNK)])
            pltpu.sync_copy(xsbuf, xs_out.at[pl.ds(base + off, CHUNK)])
            pltpu.sync_copy(xdbuf, xd_out.at[pl.ds(base + off, CHUNK)])
        return carry

    lax.fori_loop(0, NCH, body, 0)


def _edge_mlp_kernel(counts_ref, a_ref, c_ref, xs_ref, xd_ref,
                     w1l_ref, We2_ref, be2_ref, Wx1_ref, bx1_ref,
                     wx2_ref, bx2_ref, m_ref, w_ref):
    t = pl.program_id(0)
    j = pl.program_id(1)

    @pl.when(j * EBLK < counts_ref[t])
    def _():
        pre = a_ref[...] + c_ref[...]
        rel16 = xd_ref[...] - xs_ref[...]
        d2 = jnp.sum(rel16 * rel16, axis=1, keepdims=True)
        m1 = jax.nn.silu(pre + d2 * w1l_ref[...])
        m2 = jax.nn.silu(m1 @ We2_ref[...] + be2_ref[...])
        u = jax.nn.silu(m2 @ Wx1_ref[...] + bx1_ref[...])
        xw = jnp.sum(u * wx2_ref[...], axis=1, keepdims=True) + bx2_ref[0, 0]
        m_ref[...] = m2
        w_ref[...] = rel16 * jnp.tanh(xw)


def _sc_scatter_kernel(ym, yw, dstc, counts, aggm_out, aggw_out,
                       idx_v, mbuf, wbuf, zm, zw, cnt_v,
                       aggm_acc, aggw_acc):
    c = lax.axis_index("c")
    s = lax.axis_index("s")
    wid = s * NC + c
    pltpu.sync_copy(counts.at[wid], cnt_v)
    cnt = jnp.max(cnt_v[...])

    def zrow(i, carry):
        for g in range(HID // 16):
            zm[i, pl.ds(g * 16, 16)] = jnp.zeros((16,), jnp.float32)
        zw[i, pl.ds(0, 16)] = jnp.zeros((16,), jnp.float32)
        return carry

    lax.fori_loop(0, CHUNK, zrow, 0)
    zbase = s * (ACC_ROWS // NS)
    pltpu.sync_copy(zm, aggm_acc.at[pl.ds(zbase, CHUNK)])
    pltpu.sync_copy(zw, aggw_acc.at[pl.ds(zbase, CHUNK)])
    pltpu.sync_copy(zm.at[pl.ds(0, 16)],
                    aggm_acc.at[pl.ds(zbase + CHUNK, 16)])
    pltpu.sync_copy(zw.at[pl.ds(0, 16)],
                    aggw_acc.at[pl.ds(zbase + CHUNK, 16)])
    plsc.subcore_barrier()

    def body(i, carry):
        @pl.when(i * CHUNK < cnt)
        def _():
            base = wid * E_PER_TILE + i * CHUNK
            pltpu.sync_copy(dstc.at[pl.ds(base, CHUNK)], idx_v)
            pltpu.sync_copy(ym.at[pl.ds(base, CHUNK)], mbuf)
            pltpu.sync_copy(yw.at[pl.ds(base, CHUNK)], wbuf)
            pltpu.sync_copy(mbuf, aggm_acc.at[idx_v], add=True)
            pltpu.sync_copy(wbuf, aggw_acc.at[idx_v], add=True)
        return carry

    lax.fori_loop(0, NCH, body, 0)
    plsc.subcore_barrier()
    rbase = s * ROWS_PER_TILE
    pltpu.sync_copy(aggm_acc.at[pl.ds(rbase, ROWS_PER_TILE)],
                    aggm_out.at[c, pl.ds(rbase, ROWS_PER_TILE)])
    pltpu.sync_copy(aggw_acc.at[pl.ds(rbase, ROWS_PER_TILE)],
                    aggw_out.at[c, pl.ds(rbase, ROWS_PER_TILE)])


def _final_kernel(hlig_ref, tx_ref, pm_ref, pw_ref,
                  Wn1_ref, bn1_ref, Wn2_ref, bn2_ref, Wv_ref, bv_ref,
                  out_ref):
    h = hlig_ref[...]
    agg = pm_ref[0, 0:N_L, :] + pm_ref[1, 0:N_L, :]
    dx16 = pw_ref[0, 0:N_L, :] + pw_ref[1, 0:N_L, :]
    x16 = tx_ref[N_P:N_ALL, :]
    cat = jnp.concatenate([h, agg], axis=1)
    hn = jax.nn.silu(cat @ Wn1_ref[...] + bn1_ref[...])
    hnew = h + hn @ Wn2_ref[...] + bn2_ref[...]
    out_ref[...] = x16 + dx16 + hnew @ Wv_ref[...] + bv_ref[...]


def kernel(protein_pos, protein_v, batch_protein, init_ligand_pos,
           init_ligand_v, batch_ligand, time_step, edge_index,
           Wp, bp, Wl, bl, We1, be1, We2, be2, Wn1, bn1, Wn2, bn2,
           Wx1, bx1, Wx2, bx2, Wv, bv):
    f32 = jnp.float32

    bp2 = batch_protein.astype(jnp.int32).reshape(N_P, 1)
    bl2 = batch_ligand.astype(jnp.int32).reshape(N_L, 1)
    lv2 = init_ligand_v.astype(jnp.int32).reshape(N_L, 1)
    tf = (time_step.astype(f32) / T).reshape(B, 1)
    We1a = We1[0:HID]
    We1c = We1[HID:2 * HID]
    w1last = We1[2 * HID].reshape(1, HID)
    pad = jnp.full((E_PAD - N_E,), PAD_IDX, jnp.int32)
    src_i = jnp.concatenate([edge_index[0].astype(jnp.int32), pad])
    dst_i = jnp.concatenate([edge_index[1].astype(jnp.int32), pad])
    keep = (dst_i >= N_P).astype(jnp.int32).reshape(NW, E_PER_TILE)
    pref_k = jnp.cumsum(keep, axis=1) - keep
    drop = 1 - keep
    pref_d = jnp.cumsum(drop, axis=1) - drop
    counts32 = keep.sum(axis=1)
    slotv = jnp.where(keep == 1, pref_k,
                      counts32[:, None] + pref_d).reshape(E_PAD)
    counts2d = jnp.broadcast_to(counts32[:, None], (NW, 16))
    Wv16 = jnp.concatenate([jnp.zeros((HID, 3), f32), Wv], axis=1)
    bv16 = jnp.concatenate([jnp.zeros((3,), f32), bv]).reshape(1, 16)

    ta, tc_t, tx, hlig = pl.pallas_call(
        _node_tables_kernel,
        out_shape=[
            jax.ShapeDtypeStruct((N_TAB, HID), f32),
            jax.ShapeDtypeStruct((N_TAB, HID), f32),
            jax.ShapeDtypeStruct((N_TAB, 16), f32),
            jax.ShapeDtypeStruct((N_L, HID), f32),
        ],
    )(protein_pos, protein_v, bp2, init_ligand_pos, lv2, bl2, tf,
      Wp, bp.reshape(1, HID - 1), Wl, bl.reshape(1, HID - 1),
      We1a, We1c, be1.reshape(1, HID))

    mesh = plsc.VectorSubcoreMesh(core_axis_name="c", subcore_axis_name="s")
    sc_params = pltpu.CompilerParams(use_tc_tiling_on_sc=False,
                                     needs_layout_passes=False)
    gather = functools.partial(
        pl.kernel, _sc_gather_kernel, mesh=mesh, compiler_params=sc_params,
        out_type=[
            jax.ShapeDtypeStruct((E_PAD, HID), f32),
            jax.ShapeDtypeStruct((E_PAD, HID), f32),
            jax.ShapeDtypeStruct((E_PAD, 16), f32),
            jax.ShapeDtypeStruct((E_PAD, 16), f32),
            jax.ShapeDtypeStruct((E_PAD,), jnp.int32),
        ],
        scratch_types=[
            pltpu.VMEM((E_PER_TILE,), jnp.int32),
            pltpu.VMEM((E_PER_TILE,), jnp.int32),
            pltpu.VMEM((E_PER_TILE,), jnp.int32),
            pltpu.VMEM((CBUF,), jnp.int32),
            pltpu.VMEM((CBUF,), jnp.int32),
            pltpu.VMEM((CHUNK,), jnp.int32),
            pltpu.VMEM((CHUNK,), jnp.int32),
            pltpu.VMEM((CHUNK, HID), f32),
            pltpu.VMEM((CHUNK, HID), f32),
            pltpu.VMEM((CHUNK, 16), f32),
            pltpu.VMEM((CHUNK, 16), f32),
            pltpu.VMEM((16,), jnp.int32),
            pltpu.SemaphoreType.DMA,
        ],
    )()
    a_rows, c_rows, xs_rows, xd_rows, dstc = gather(
        ta, tc_t, tx, src_i, dst_i, slotv, counts2d)

    def edge_blk(r, cdim):
        def im(t, j, counts):
            jm = jnp.maximum((counts[t] + EBLK - 1) // EBLK - 1, 0)
            return (t * NCHB + jnp.minimum(j, jm), 0)
        return pl.BlockSpec((r, cdim), im)

    rep = lambda r, cdim: pl.BlockSpec((r, cdim), lambda t, j, counts: (0, 0))
    m_rows, w_rows = pl.pallas_call(
        _edge_mlp_kernel,
        grid_spec=pltpu.PrefetchScalarGridSpec(
            num_scalar_prefetch=1,
            grid=(NW, NCHB),
            in_specs=[
                edge_blk(EBLK, HID), edge_blk(EBLK, HID),
                edge_blk(EBLK, 16), edge_blk(EBLK, 16),
                rep(1, HID), rep(HID, HID), rep(1, HID), rep(HID, HID),
                rep(1, HID), rep(1, HID), rep(1, 1),
            ],
            out_specs=[edge_blk(EBLK, HID), edge_blk(EBLK, 16)],
        ),
        out_shape=[
            jax.ShapeDtypeStruct((E_PAD, HID), f32),
            jax.ShapeDtypeStruct((E_PAD, 16), f32),
        ],
    )(counts32, a_rows, c_rows, xs_rows, xd_rows, w1last, We2,
      be2.reshape(1, HID), Wx1, bx1.reshape(1, HID),
      Wx2.reshape(1, HID), bx2.reshape(1, 1))

    scatter = functools.partial(
        pl.kernel, _sc_scatter_kernel, mesh=mesh, compiler_params=sc_params,
        out_type=[
            jax.ShapeDtypeStruct((NC, LIG_ROWS, HID), f32),
            jax.ShapeDtypeStruct((NC, LIG_ROWS, 16), f32),
        ],
        scratch_types=[
            pltpu.VMEM((CHUNK,), jnp.int32),
            pltpu.VMEM((CHUNK, HID), f32),
            pltpu.VMEM((CHUNK, 16), f32),
            pltpu.VMEM((CHUNK, HID), f32),
            pltpu.VMEM((CHUNK, 16), f32),
            pltpu.VMEM((16,), jnp.int32),
            pltpu.VMEM_SHARED((ACC_ROWS, HID), f32),
            pltpu.VMEM_SHARED((ACC_ROWS, 16), f32),
        ],
    )()
    pm, pw = scatter(m_rows, w_rows, dstc, counts2d)

    out = pl.pallas_call(
        _final_kernel,
        out_shape=jax.ShapeDtypeStruct((N_L, 16), f32),
    )(hlig, tx, pm, pw, Wn1, bn1.reshape(1, HID), Wn2, bn2.reshape(1, HID),
      Wv16, bv16)
    return out

# --- scband reference (transcript-rebuilt; emitter-appended) ---
"""Pipeline reference for scband-score-pos-net3-d-76673756168944 (READ-ONLY COPY).

The authoritative reference and input builder live on the scoring server;
editing this copy changes nothing except your own understanding.
"""

import jax, jax.numpy as jnp
import numpy as np

N_P = 8000; N_L = 2000; N_ALL = 10000; N_E = 160000; B = 16; HID = 128; PF = 27; LF = 13; T = 1000

def _lin(k, fi, fo):
    return jax.random.normal(k, (fi, fo), jnp.float32) / np.sqrt(fi)

def setup_inputs(seed: int = 0):
    key = jax.random.key(seed)
    ks = jax.random.split(key, 20)
    inp = {}
    inp['protein_pos'] = 5.0 * jax.random.normal(ks[0], (N_P, 3), jnp.float32)
    inp['protein_v'] = jax.random.normal(ks[1], (N_P, PF), jnp.float32)
    inp['batch_protein'] = jnp.sort(jax.random.randint(ks[2], (N_P,), 0, B))
    inp['init_ligand_pos'] = 5.0 * jax.random.normal(ks[3], (N_L, 3), jnp.float32)
    inp['init_ligand_v'] = jax.random.randint(ks[4], (N_L,), 0, LF)
    inp['batch_ligand'] = jnp.sort(jax.random.randint(ks[5], (N_L,), 0, B))
    inp['time_step'] = jax.random.randint(ks[6], (B,), 0, T)
    inp['edge_index'] = jax.random.randint(ks[7], (2, N_E), 0, N_ALL)
    inp['Wp'] = _lin(ks[8], PF, HID - 1); inp['bp'] = jnp.zeros((HID - 1,), jnp.float32)
    inp['Wl'] = _lin(ks[9], LF + 1, HID - 1); inp['bl'] = jnp.zeros((HID - 1,), jnp.float32)
    inp['We1'] = _lin(ks[10], 2 * HID + 1, HID); inp['be1'] = jnp.zeros((HID,), jnp.float32)
    inp['We2'] = _lin(ks[11], HID, HID); inp['be2'] = jnp.zeros((HID,), jnp.float32)
    inp['Wn1'] = _lin(ks[12], 2 * HID, HID); inp['bn1'] = jnp.zeros((HID,), jnp.float32)
    inp['Wn2'] = _lin(ks[13], HID, HID); inp['bn2'] = jnp.zeros((HID,), jnp.float32)
    inp['Wx1'] = _lin(ks[14], HID, HID); inp['bx1'] = jnp.zeros((HID,), jnp.float32)
    inp['Wx2'] = _lin(ks[15], HID, 1); inp['bx2'] = jnp.zeros((1,), jnp.float32)
    inp['Wv'] = _lin(ks[16], HID, LF); inp['bv'] = jnp.zeros((LF,), jnp.float32)
    return inp

def reference(protein_pos, protein_v, batch_protein, init_ligand_pos, init_ligand_v, batch_ligand, time_step, edge_index, Wp, bp, Wl, bl, We1, be1, We2, be2, Wn1, bn1, Wn2, bn2, Wx1, bx1, Wx2, bx2, Wv, bv):
    # center_pos mode='protein': scatter_mean of protein positions per batch, gather back
    seg_sum = jax.ops.segment_sum(protein_pos, batch_protein, num_segments=B)
    cnt = jax.ops.segment_sum(jnp.ones((N_P,), jnp.float32), batch_protein, num_segments=B)
    offset = seg_sum / jnp.clip(cnt, 1.0)[:, None]
    ppos = protein_pos - offset[batch_protein]
    lpos = init_ligand_pos - offset[batch_ligand]
    # ligand one-hot + simple time feature
    lig_onehot = jax.nn.one_hot(init_ligand_v, LF, dtype=jnp.float32)
    tfeat = (time_step.astype(jnp.float32) / T)[batch_ligand][:, None]
    lig_feat = jnp.concatenate([lig_onehot, tfeat], axis=-1)
    # atom embeddings + node_indicator column
    h_p = protein_v @ Wp + bp
    h_l = lig_feat @ Wl + bl
    h_p = jnp.concatenate([h_p, jnp.zeros((N_P, 1), jnp.float32)], axis=-1)
    h_l = jnp.concatenate([h_l, jnp.ones((N_L, 1), jnp.float32)], axis=-1)
    h = jnp.concatenate([h_p, h_l], axis=0)
    x = jnp.concatenate([ppos, lpos], axis=0)
    mask_ligand = jnp.concatenate([jnp.zeros((N_P,), jnp.float32), jnp.ones((N_L,), jnp.float32)])
    src, dst = edge_index[0], edge_index[1]
    # EGNN-style refine layer (x2h then h2x)
    rel = x[dst] - x[src]
    d2 = jnp.sum(rel * rel, axis=-1, keepdims=True)
    m_in = jnp.concatenate([h[src], h[dst], d2], axis=-1)
    m = jax.nn.silu(m_in @ We1 + be1)
    m = jax.nn.silu(m @ We2 + be2)
    agg = jax.ops.segment_sum(m, dst, num_segments=N_ALL)
    hn = jax.nn.silu(jnp.concatenate([h, agg], axis=-1) @ Wn1 + bn1)
    h = h + hn @ Wn2 + bn2
    xw = jax.nn.silu(m @ Wx1 + bx1) @ Wx2 + bx2
    dx = jax.ops.segment_sum(rel * jnp.tanh(xw), dst, num_segments=N_ALL)
    x = x + dx * mask_ligand[:, None]  # only ligand atoms move; protein fixed
    final_ligand_pos = x[N_P:]
    final_ligand_v = h[N_P:] @ Wv + bv
    return jnp.concatenate([final_ligand_pos, final_ligand_v], axis=-1)

if __name__ == "__main__":
    import jax
    _d = setup_inputs()
    print(jax.jit(kernel)(*tuple(_d.values())))

</pallas_src>

<mosaic_0001>
#map = affine_map<(d0, d1) -> (0, 0)>
#map1 = affine_map<(d0, d1) -> (0)>
module attributes {stable_mosaic.version = 14 : i64} {
  func.func @_sc_gather_kernel(%arg0: i32, %arg1: i32, %arg2: memref<10240x128xf32, #tpu.memory_space<hbm>>, %arg3: memref<10240x128xf32, #tpu.memory_space<hbm>>, %arg4: memref<10240x16xf32, #tpu.memory_space<hbm>>, %arg5: memref<163840xi32, #tpu.memory_space<hbm>>, %arg6: memref<163840xi32, #tpu.memory_space<hbm>>, %arg7: memref<163840xi32, #tpu.memory_space<hbm>>, %arg8: memref<32x16xi32, #tpu.memory_space<hbm>>, %arg9: memref<163840x128xf32, #tpu.memory_space<hbm>>, %arg10: memref<163840x128xf32, #tpu.memory_space<hbm>>, %arg11: memref<163840x16xf32, #tpu.memory_space<hbm>>, %arg12: memref<163840x16xf32, #tpu.memory_space<hbm>>, %arg13: memref<163840xi32, #tpu.memory_space<hbm>>, %arg14: memref<5120xi32, #tpu.memory_space<vmem>>, %arg15: memref<5120xi32, #tpu.memory_space<vmem>>, %arg16: memref<5120xi32, #tpu.memory_space<vmem>>, %arg17: memref<5120xi32, #tpu.memory_space<vmem>>, %arg18: memref<5120xi32, #tpu.memory_space<vmem>>, %arg19: memref<128xi32, #tpu.memory_space<vmem>>, %arg20: memref<128xi32, #tpu.memory_space<vmem>>, %arg21: memref<128x128xf32, #tpu.memory_space<vmem>>, %arg22: memref<128x128xf32, #tpu.memory_space<vmem>>, %arg23: memref<128x16xf32, #tpu.memory_space<vmem>>, %arg24: memref<128x16xf32, #tpu.memory_space<vmem>>, %arg25: memref<16xi32, #tpu.memory_space<vmem>>, %arg26: memref<!tpu.dma_semaphore, #tpu.memory_space<semaphore_mem>>) attributes {dimension_semantics = [#tpu.dimension_semantics<core_parallel>, #tpu.dimension_semantics<subcore_parallel>], iteration_bounds = array<i64: 2, 16>, scalar_prefetch = 0 : i64, scratch_operands = 13 : i64, tpu.core_type = #tpu.core_type<sc_vector_subcore>, window_params = [{transform_indices = #map}, {transform_indices = #map}, {transform_indices = #map}, {transform_indices = #map1}, {transform_indices = #map1}, {transform_indices = #map1}, {transform_indices = #map}, {transform_indices = #map}, {transform_indices = #map}, {transform_indices = #map}, {transform_indices = #map}, {transform_indices = #map1}]} {
    %mul3A = arith.constant 2 : i32
    %mul3A_0 = arith.muli %arg1, %mul3A : i32
    %add3A = arith.addi %mul3A_0, %arg0 : i32
    %mul3A_1 = arith.constant 5120 : i32
    %mul3A_2 = arith.muli %add3A, %mul3A_1 : i32
    "tpu.region"() ({
      %run_scoped3A = tpu.sem_alloc : memref<!tpu.dma_semaphore, #tpu.memory_space<semaphore_mem>>
      %dma_start3A = tpu.memref_slice %arg5[%mul3A_2] : memref<163840xi32, #tpu.memory_space<hbm>> -> memref<5120xi32, #tpu.memory_space<hbm>>
      %dma_start3A_22 = tpu.memref_slice %arg5[%mul3A_2] : memref<163840xi32, #tpu.memory_space<hbm>> -> memref<5120xi32, #tpu.memory_space<hbm>>
      tpu.enqueue_dma source(%dma_start3A_22 : memref<5120xi32, #tpu.memory_space<hbm>>) target(%arg14 : memref<5120xi32, #tpu.memory_space<vmem>>) target_semaphore(%run_scoped3A : memref<!tpu.dma_semaphore, #tpu.memory_space<semaphore_mem>>)
      %dma_wait3A = tpu.memref_slice %arg5[%mul3A_2] : memref<163840xi32, #tpu.memory_space<hbm>> -> memref<5120xi32, #tpu.memory_space<hbm>>
      %dma_wait3A_23 = tpu.memref_slice %arg5[%mul3A_2] : memref<163840xi32, #tpu.memory_space<hbm>> -> memref<5120xi32, #tpu.memory_space<hbm>>
      tpu.wait_dma2 semaphore(%run_scoped3A : memref<!tpu.dma_semaphore, #tpu.memory_space<semaphore_mem>>) src(%dma_wait3A_23 : memref<5120xi32, #tpu.memory_space<hbm>>) dst(%arg14 : memref<5120xi32, #tpu.memory_space<vmem>>)
      tpu.yield
    }) : () -> ()
    "tpu.region"() ({
      %run_scoped3A = tpu.sem_alloc : memref<!tpu.dma_semaphore, #tpu.memory_space<semaphore_mem>>
      %dma_start3A = tpu.memref_slice %arg6[%mul3A_2] : memref<163840xi32, #tpu.memory_space<hbm>> -> memref<5120xi32, #tpu.memory_space<hbm>>
      %dma_start3A_22 = tpu.memref_slice %arg6[%mul3A_2] : memref<163840xi32, #tpu.memory_space<hbm>> -> memref<5120xi32, #tpu.memory_space<hbm>>
      tpu.enqueue_dma source(%dma_start3A_22 : memref<5120xi32, #tpu.memory_space<hbm>>) target(%arg15 : memref<5120xi32, #tpu.memory_space<vmem>>) target_semaphore(%run_scoped3A : memref<!tpu.dma_semaphore, #tpu.memory_space<semaphore_mem>>)
      %dma_wait3A = tpu.memref_slice %arg6[%mul3A_2] : memref<163840xi32, #tpu.memory_space<hbm>> -> memref<5120xi32, #tpu.memory_space<hbm>>
      %dma_wait3A_23 = tpu.memref_slice %arg6[%mul3A_2] : memref<163840xi32, #tpu.memory_space<hbm>> -> memref<5120xi32, #tpu.memory_space<hbm>>
      tpu.wait_dma2 semaphore(%run_scoped3A : memref<!tpu.dma_semaphore, #tpu.memory_space<semaphore_mem>>) src(%dma_wait3A_23 : memref<5120xi32, #tpu.memory_space<hbm>>) dst(%arg15 : memref<5120xi32, #tpu.memory_space<vmem>>)
      tpu.yield
    }) : () -> ()
    "tpu.region"() ({
      %run_scoped3A = tpu.sem_alloc : memref<!tpu.dma_semaphore, #tpu.memory_space<semaphore_mem>>
      %dma_start3A = tpu.memref_slice %arg7[%mul3A_2] : memref<163840xi32, #tpu.memory_space<hbm>> -> memref<5120xi32, #tpu.memory_space<hbm>>
      %dma_start3A_22 = tpu.memref_slice %arg7[%mul3A_2] : memref<163840xi32, #tpu.memory_space<hbm>> -> memref<5120xi32, #tpu.memory_space<hbm>>
      tpu.enqueue_dma source(%dma_start3A_22 : memref<5120xi32, #tpu.memory_space<hbm>>) target(%arg16 : memref<5120xi32, #tpu.memory_space<vmem>>) target_semaphore(%run_scoped3A : memref<!tpu.dma_semaphore, #tpu.memory_space<semaphore_mem>>)
      %dma_wait3A = tpu.memref_slice %arg7[%mul3A_2] : memref<163840xi32, #tpu.memory_space<hbm>> -> memref<5120xi32, #tpu.memory_space<hbm>>
      %dma_wait3A_23 = tpu.memref_slice %arg7[%mul3A_2] : memref<163840xi32, #tpu.memory_space<hbm>> -> memref<5120xi32, #tpu.memory_space<hbm>>
      tpu.wait_dma2 semaphore(%run_scoped3A : memref<!tpu.dma_semaphore, #tpu.memory_space<semaphore_mem>>) src(%dma_wait3A_23 : memref<5120xi32, #tpu.memory_space<hbm>>) dst(%arg16 : memref<5120xi32, #tpu.memory_space<vmem>>)
      tpu.yield
    }) : () -> ()
    "tpu.region"() ({
      %run_scoped3A = tpu.sem_alloc : memref<!tpu.dma_semaphore, #tpu.memory_space<semaphore_mem>>
      %dma_start3A = arith.constant 0 : i32
      %dma_start3A_22 = tpu.memref_slice %arg8[%add3A, %dma_start3A] : memref<32x16xi32, #tpu.memory_space<hbm>> -> memref<1x16xi32, #tpu.memory_space<hbm>>
      %dma_start3A_23 = tpu.memref_squeeze %dma_start3A_22 : memref<1x16xi32, #tpu.memory_space<hbm>> -> memref<16xi32, #tpu.memory_space<hbm>>
      %dma_start3A_24 = arith.constant 0 : i32
      %dma_start3A_25 = tpu.memref_slice %arg8[%add3A, %dma_start3A_24] : memref<32x16xi32, #tpu.memory_space<hbm>> -> memref<1x16xi32, #tpu.memory_space<hbm>>
      %dma_start3A_26 = tpu.memref_squeeze %dma_start3A_25 : memref<1x16xi32, #tpu.memory_space<hbm>> -> memref<16xi32, #tpu.memory_space<hbm>>
      tpu.enqueue_dma source(%dma_start3A_26 : memref<16xi32, #tpu.memory_space<hbm>>) target(%arg25 : memref<16xi32, #tpu.memory_space<vmem>>) target_semaphore(%run_scoped3A : memref<!tpu.dma_semaphore, #tpu.memory_space<semaphore_mem>>)
      %dma_wait3A = arith.constant 0 : i32
      %dma_wait3A_27 = tpu.memref_slice %arg8[%add3A, %dma_wait3A] : memref<32x16xi32, #tpu.memory_space<hbm>> -> memref<1x16xi32, #tpu.memory_space<hbm>>
      %dma_wait3A_28 = tpu.memref_squeeze %dma_wait3A_27 : memref<1x16xi32, #tpu.memory_space<hbm>> -> memref<16xi32, #tpu.memory_space<hbm>>
      %dma_wait3A_29 = arith.constant 0 : i32
      %dma_wait3A_30 = tpu.memref_slice %arg8[%add3A, %dma_wait3A_29] : memref<32x16xi32, #tpu.memory_space<hbm>> -> memref<1x16xi32, #tpu.memory_space<hbm>>
      %dma_wait3A_31 = tpu.memref_squeeze %dma_wait3A_30 : memref<1x16xi32, #tpu.memory_space<hbm>> -> memref<16xi32, #tpu.memory_space<hbm>>
      tpu.wait_dma2 semaphore(%run_scoped3A : memref<!tpu.dma_semaphore, #tpu.memory_space<semaphore_mem>>) src(%dma_wait3A_31 : memref<16xi32, #tpu.memory_space<hbm>>) dst(%arg25 : memref<16xi32, #tpu.memory_space<vmem>>)
      tpu.yield
    }) : () -> ()
    %get3A = arith.constant 0 : index
    %get3A_3 = tpu.vector_load %arg25[%get3A] {strides = array<i32>} : memref<16xi32, #tpu.memory_space<vmem>>, vector<16xi32>,
    %reduce_max3A = arith.constant true
    %reduce_max3A_4 = vector.broadcast %reduce_max3A : i1 to vector<16xi1>
    %reduce_max3A_5 = arith.constant -2147483648 : i32
    %reduce_max3A_6 = vector.broadcast %reduce_max3A_5 : i32 to vector<16xi32>
    %reduce_max3A_7 = arith.xori %get3A_3, %reduce_max3A_6 : vector<16xi32>
    %reduce_max3A_8 = tpu.scan <max>, %reduce_max3A_7 masked %reduce_max3A_4 : vector<16xi32>, vector<16xi1> -> vector<16xi32>
    %reduce_max3A_9 = arith.xori %reduce_max3A_8, %reduce_max3A_6 : vector<16xi32>
    %reduce_max3A_10 = vector.extract %reduce_max3A_9[15] : i32 from vector<16xi32>
    %scan3A = arith.constant 0 : i32
    %scan3A_11 = arith.constant 0 : i32
    %scan3A_12 = arith.constant 320 : i32
    %scan3A_13 = arith.addi %scan3A_11, %scan3A_12 : i32
    %scan3A_14 = arith.constant 1 : i32
    scf.for %scan3A_22 = %scan3A_11 to %scan3A_13 step %scan3A_14  : i32 {
      %mul3A_23 = arith.constant 16 : i32
      %mul3A_24 = arith.muli %scan3A_22, %mul3A_23 : i32
      %get3A_25 = arith.index_cast %mul3A_24 : i32 to index
      %get3A_26 = tpu.vector_load %arg15[%get3A_25] {strides = array<i32>} : memref<5120xi32, #tpu.memory_space<vmem>>, vector<16xi32>,
      %mul3A_27 = arith.constant 16 : i32
      %mul3A_28 = arith.muli %scan3A_22, %mul3A_27 : i32
      %get3A_29 = arith.index_cast %mul3A_28 : i32 to index
      %get3A_30 = tpu.vector_load %arg14[%get3A_29] {strides = array<i32>} : memref<5120xi32, #tpu.memory_space<vmem>>, vector<16xi32>,
      %mul3A_31 = arith.constant 16 : i32
      %mul3A_32 = arith.muli %scan3A_22, %mul3A_31 : i32
      %get3A_33 = arith.index_cast %mul3A_32 : i32 to index
      %get3A_34 = tpu.vector_load %arg16[%get3A_33] {strides = array<i32>} : memref<5120xi32, #tpu.memory_space<vmem>>, vector<16xi32>,
      %sub3A = arith.constant 8000 : i32
      %sub3A_35 = vector.broadcast %sub3A : i32 to vector<16xi32>
      %sub3A_36 = arith.subi %get3A_26, %sub3A_35 : vector<16xi32>
      %shift_right_logical3A = arith.constant 31 : i32
      %shift_right_logical3A_37 = vector.broadcast %shift_right_logical3A : i32 to vector<16xi32>
      %shift_right_logical3A_38 = arith.shrui %sub3A_36, %shift_right_logical3A_37 : vector<16xi32>
      %sub3A_39 = arith.constant 2112 : i32
      %sub3A_40 = vector.broadcast %sub3A_39 : i32 to vector<16xi32>
      %sub3A_41 = arith.subi %sub3A_40, %sub3A_36 : vector<16xi32>
      %mul3A_42 = arith.muli %shift_right_logical3A_38, %sub3A_41 : vector<16xi32>
      %add3A_43 = arith.addi %sub3A_36, %mul3A_42 : vector<16xi32>
      %sub3A_44 = arith.constant 10112 : i32
      %sub3A_45 = vector.broadcast %sub3A_44 : i32 to vector<16xi32>
      %sub3A_46 = arith.subi %sub3A_45, %get3A_30 : vector<16xi32>
      %mul3A_47 = arith.muli %shift_right_logical3A_38, %sub3A_46 : vector<16xi32>
      %add3A_48 = arith.addi %get3A_30, %mul3A_47 : vector<16xi32>
      tpu.vector_store_idx %arg18[%get3A_34], %add3A_43 : memref<5120xi32, #tpu.memory_space<vmem>>[vector<16xi32>], vector<16xi32>,
      tpu.vector_store_idx %arg17[%get3A_34], %add3A_48 : memref<5120xi32, #tpu.memory_space<vmem>>[vector<16xi32>], vector<16xi32>,
    }
    %scan3A_15 = arith.constant 320 : i32
    "tpu.region"() ({
      %run_scoped3A = tpu.sem_alloc : memref<!tpu.dma_semaphore, #tpu.memory_space<semaphore_mem>>
      %dma_start3A = arith.constant 0 : i32
      %dma_start3A_22 = tpu.memref_slice %arg18[%dma_start3A] : memref<5120xi32, #tpu.memory_space<vmem>> -> memref<5120xi32, #tpu.memory_space<vmem>>
      %dma_start3A_23 = tpu.memref_slice %arg13[%mul3A_2] : memref<163840xi32, #tpu.memory_space<hbm>> -> memref<5120xi32, #tpu.memory_space<hbm>>
      %dma_start3A_24 = tpu.memref_slice %arg13[%mul3A_2] : memref<163840xi32, #tpu.memory_space<hbm>> -> memref<5120xi32, #tpu.memory_space<hbm>>
      %dma_start3A_25 = arith.constant 0 : i32
      %dma_start3A_26 = tpu.memref_slice %arg18[%dma_start3A_25] : memref<5120xi32, #tpu.memory_space<vmem>> -> memref<5120xi32, #tpu.memory_space<vmem>>
      tpu.enqueue_dma source(%dma_start3A_26 : memref<5120xi32, #tpu.memory_space<vmem>>) target(%dma_start3A_24 : memref<5120xi32, #tpu.memory_space<hbm>>) target_semaphore(%run_scoped3A : memref<!tpu.dma_semaphore, #tpu.memory_space<semaphore_mem>>)
      %dma_wait3A = arith.constant 0 : i32
      %dma_wait3A_27 = tpu.memref_slice %arg18[%dma_wait3A] : memref<5120xi32, #tpu.memory_space<vmem>> -> memref<5120xi32, #tpu.memory_space<vmem>>
      %dma_wait3A_28 = tpu.memref_slice %arg13[%mul3A_2] : memref<163840xi32, #tpu.memory_space<hbm>> -> memref<5120xi32, #tpu.memory_space<hbm>>
      %dma_wait3A_29 = tpu.memref_slice %arg13[%mul3A_2] : memref<163840xi32, #tpu.memory_space<hbm>> -> memref<5120xi32, #tpu.memory_space<hbm>>
      %dma_wait3A_30 = arith.constant 0 : i32
      %dma_wait3A_31 = tpu.memref_slice %arg18[%dma_wait3A_30] : memref<5120xi32, #tpu.memory_space<vmem>> -> memref<5120xi32, #tpu.memory_space<vmem>>
      tpu.wait_dma2 semaphore(%run_scoped3A : memref<!tpu.dma_semaphore, #tpu.memory_space<semaphore_mem>>) src(%dma_wait3A_31 : memref<5120xi32, #tpu.memory_space<vmem>>) dst(%dma_wait3A_29 : memref<5120xi32, #tpu.memory_space<hbm>>)
      tpu.yield
    }) : () -> ()
    %scan3A_16 = arith.constant 0 : i32
    %scan3A_17 = arith.constant 0 : i32
    %scan3A_18 = arith.constant 40 : i32
    %scan3A_19 = arith.addi %scan3A_17, %scan3A_18 : i32
    %scan3A_20 = arith.constant 1 : i32
    scf.for %scan3A_22 = %scan3A_17 to %scan3A_19 step %scan3A_20  : i32 {
      %mul3A_23 = arith.constant 128 : i32
      %mul3A_24 = arith.muli %scan3A_22, %mul3A_23 : i32
      %lt3A = arith.cmpi slt, %mul3A_24, %reduce_max3A_10 : i32
      %convert_element_type3A = arith.extui %lt3A : i1 to i32
      %cond3A = arith.constant 0 : i32
      %cond3A_25 = arith.cmpi ne, %convert_element_type3A, %cond3A : i32
      scf.if %cond3A_25 {
        %mul3A_26 = arith.constant 128 : i32
        %mul3A_27 = arith.muli %scan3A_22, %mul3A_26 : i32
        %add3A_28 = arith.constant 0 : i32
        %add3A_29 = arith.addi %mul3A_27, %add3A_28 : i32
        %get3A_30 = arith.index_cast %add3A_29 : i32 to index
        %get3A_31 = tpu.vector_load %arg17[%get3A_30] {strides = array<i32>} : memref<5120xi32, #tpu.memory_space<vmem>>, vector<16xi32>,
        %swap3A = arith.constant 0 : index
        %swap3A_32 = tpu.vector_load %arg19[%swap3A] {strides = array<i32>} : memref<128xi32, #tpu.memory_space<vmem>>, vector<16xi32>,
        tpu.vector_store %arg19[%swap3A], %get3A_31 {strides = array<i32>} : memref<128xi32, #tpu.memory_space<vmem>>, vector<16xi32>,
        %add3A_33 = arith.constant 0 : i32
        %add3A_34 = arith.addi %mul3A_27, %add3A_33 : i32
        %get3A_35 = arith.index_cast %add3A_34 : i32 to index
        %get3A_36 = tpu.vector_load %arg18[%get3A_35] {strides = array<i32>} : memref<5120xi32, #tpu.memory_space<vmem>>, vector<16xi32>,
        %add3A_37 = arith.constant 8000 : i32
        %add3A_38 = vector.broadcast %add3A_37 : i32 to vector<16xi32>
        %add3A_39 = arith.addi %get3A_36, %add3A_38 : vector<16xi32>
        %swap3A_40 = arith.constant 0 : index
        %swap3A_41 = tpu.vector_load %arg20[%swap3A_40] {strides = array<i32>} : memref<128xi32, #tpu.memory_space<vmem>>, vector<16xi32>,
        tpu.vector_store %arg20[%swap3A_40], %add3A_39 {strides = array<i32>} : memref<128xi32, #tpu.memory_space<vmem>>, vector<16xi32>,
        %add3A_42 = arith.constant 16 : i32
        %add3A_43 = arith.addi %mul3A_27, %add3A_42 : i32
        %get3A_44 = arith.index_cast %add3A_43 : i32 to index
        %get3A_45 = tpu.vector_load %arg17[%get3A_44] {strides = array<i32>} : memref<5120xi32, #tpu.memory_space<vmem>>, vector<16xi32>,
        %swap3A_46 = arith.constant 16 : index
        %swap3A_47 = tpu.vector_load %arg19[%swap3A_46] {strides = array<i32>} : memref<128xi32, #tpu.memory_space<vmem>>, vector<16xi32>,
        tpu.vector_store %arg19[%swap3A_46], %get3A_45 {strides = array<i32>} : memref<128xi32, #tpu.memory_space<vmem>>, vector<16xi32>,
        %add3A_48 = arith.constant 16 : i32
        %add3A_49 = arith.addi %mul3A_27, %add3A_48 : i32
        %get3A_50 = arith.index_cast %add3A_49 : i32 to index
        %get3A_51 = tpu.vector_load %arg18[%get3A_50] {strides = array<i32>} : memref<5120xi32, #tpu.memory_space<vmem>>, vector<16xi32>,
        %add3A_52 = arith.constant 8000 : i32
        %add3A_53 = vector.broadcast %add3A_52 : i32 to vector<16xi32>
        %add3A_54 = arith.addi %get3A_51, %add3A_53 : vector<16xi32>
        %swap3A_55 = arith.constant 16 : index
        %swap3A_56 = tpu.vector_load %arg20[%swap3A_55] {strides = array<i32>} : memref<128xi32, #tpu.memory_space<vmem>>, vector<16xi32>,
        tpu.vector_store %arg20[%swap3A_55], %add3A_54 {strides = array<i32>} : memref<128xi32, #tpu.memory_space<vmem>>, vector<16xi32>,
        %add3A_57 = arith.constant 32 : i32
        %add3A_58 = arith.addi %mul3A_27, %add3A_57 : i32
        %get3A_59 = arith.index_cast %add3A_58 : i32 to index
        %get3A_60 = tpu.vector_load %arg17[%get3A_59] {strides = array<i32>} : memref<5120xi32, #tpu.memory_space<vmem>>, vector<16xi32>,
        %swap3A_61 = arith.constant 32 : index
        %swap3A_62 = tpu.vector_load %arg19[%swap3A_61] {strides = array<i32>} : memref<128xi32, #tpu.memory_space<vmem>>, vector<16xi32>,
        tpu.vector_store %arg19[%swap3A_61], %get3A_60 {strides = array<i32>} : memref<128xi32, #tpu.memory_space<vmem>>, vector<16xi32>,
        %add3A_63 = arith.constant 32 : i32
        %add3A_64 = arith.addi %mul3A_27, %add3A_63 : i32
        %get3A_65 = arith.index_cast %add3A_64 : i32 to index
        %get3A_66 = tpu.vector_load %arg18[%get3A_65] {strides = array<i32>} : memref<5120xi32, #tpu.memory_space<vmem>>, vector<16xi32>,
        %add3A_67 = arith.constant 8000 : i32
        %add3A_68 = vector.broadcast %add3A_67 : i32 to vector<16xi32>
        %add3A_69 = arith.addi %get3A_66, %add3A_68 : vector<16xi32>
        %swap3A_70 = arith.constant 32 : index
        %swap3A_71 = tpu.vector_load %arg20[%swap3A_70] {strides = array<i32>} : memref<128xi32, #tpu.memory_space<vmem>>, vector<16xi32>,
        tpu.vector_store %arg20[%swap3A_70], %add3A_69 {strides = array<i32>} : memref<128xi32, #tpu.memory_space<vmem>>, vector<16xi32>,
        %add3A_72 = arith.constant 48 : i32
        %add3A_73 = arith.addi %mul3A_27, %add3A_72 : i32
        %get3A_74 = arith.index_cast %add3A_73 : i32 to index
        %get3A_75 = tpu.vector_load %arg17[%get3A_74] {strides = array<i32>} : memref<5120xi32, #tpu.memory_space<vmem>>, vector<16xi32>,
        %swap3A_76 = arith.constant 48 : index
        %swap3A_77 = tpu.vector_load %arg19[%swap3A_76] {strides = array<i32>} : memref<128xi32, #tpu.memory_space<vmem>>, vector<16xi32>,
        tpu.vector_store %arg19[%swap3A_76], %get3A_75 {strides = array<i32>} : memref<128xi32, #tpu.memory_space<vmem>>, vector<16xi32>,
        %add3A_78 = arith.constant 48 : i32
        %add3A_79 = arith.addi %mul3A_27, %add3A_78 : i32
        %get3A_80 = arith.index_cast %add3A_79 : i32 to index
        %get3A_81 = tpu.vector_load %arg18[%get3A_80] {strides = array<i32>} : memref<5120xi32, #tpu.memory_space<vmem>>, vector<16xi32>,
        %add3A_82 = arith.constant 8000 : i32
        %add3A_83 = vector.broadcast %add3A_82 : i32 to vector<16xi32>
        %add3A_84 = arith.addi %get3A_81, %add3A_83 : vector<16xi32>
        %swap3A_85 = arith.constant 48 : index
        %swap3A_86 = tpu.vector_load %arg20[%swap3A_85] {strides = array<i32>} : memref<128xi32, #tpu.memory_space<vmem>>, vector<16xi32>,
        tpu.vector_store %arg20[%swap3A_85], %add3A_84 {strides = array<i32>} : memref<128xi32, #tpu.memory_space<vmem>>, vector<16xi32>,
        %add3A_87 = arith.constant 64 : i32
        %add3A_88 = arith.addi %mul3A_27, %add3A_87 : i32
        %get3A_89 = arith.index_cast %add3A_88 : i32 to index
        %get3A_90 = tpu.vector_load %arg17[%get3A_89] {strides = array<i32>} : memref<5120xi32, #tpu.memory_space<vmem>>, vector<16xi32>,
        %swap3A_91 = arith.constant 64 : index
        %swap3A_92 = tpu.vector_load %arg19[%swap3A_91] {strides = array<i32>} : memref<128xi32, #tpu.memory_space<vmem>>, vector<16xi32>,
        tpu.vector_store %arg19[%swap3A_91], %get3A_90 {strides = array<i32>} : memref<128xi32, #tpu.memory_space<vmem>>, vector<16xi32>,
        %add3A_93 = arith.constant 64 : i32
        %add3A_94 = arith.addi %mul3A_27, %add3A_93 : i32
        %get3A_95 = arith.index_cast %add3A_94 : i32 to index
        %get3A_96 = tpu.vector_load %arg18[%get3A_95] {strides = array<i32>} : memref<5120xi32, #tpu.memory_space<vmem>>, vector<16xi32>,
        %add3A_97 = arith.constant 8000 : i32
        %add3A_98 = vector.broadcast %add3A_97 : i32 to vector<16xi32>
        %add3A_99 = arith.addi %get3A_96, %add3A_98 : vector<16xi32>
        %swap3A_100 = arith.constant 64 : index
        %swap3A_101 = tpu.vector_load %arg20[%swap3A_100] {strides = array<i32>} : memref<128xi32, #tpu.memory_space<vmem>>, vector<16xi32>,
        tpu.vector_store %arg20[%swap3A_100], %add3A_99 {strides = array<i32>} : memref<128xi32, #tpu.memory_space<vmem>>, vector<16xi32>,
        %add3A_102 = arith.constant 80 : i32
        %add3A_103 = arith.addi %mul3A_27, %add3A_102 : i32
        %get3A_104 = arith.index_cast %add3A_103 : i32 to index
        %get3A_105 = tpu.vector_load %arg17[%get3A_104] {strides = array<i32>} : memref<5120xi32, #tpu.memory_space<vmem>>, vector<16xi32>,
        %swap3A_106 = arith.constant 80 : index
        %swap3A_107 = tpu.vector_load %arg19[%swap3A_106] {strides = array<i32>} : memref<128xi32, #tpu.memory_space<vmem>>, vector<16xi32>,
        tpu.vector_store %arg19[%swap3A_106], %get3A_105 {strides = array<i32>} : memref<128xi32, #tpu.memory_space<vmem>>, vector<16xi32>,
        %add3A_108 = arith.constant 80 : i32
        %add3A_109 = arith.addi %mul3A_27, %add3A_108 : i32
        %get3A_110 = arith.index_cast %add3A_109 : i32 to index
        %get3A_111 = tpu.vector_load %arg18[%get3A_110] {strides = array<i32>} : memref<5120xi32, #tpu.memory_space<vmem>>, vector<16xi32>,
        %add3A_112 = arith.constant 8000 : i32
        %add3A_113 = vector.broadcast %add3A_112 : i32 to vector<16xi32>
        %add3A_114 = arith.addi %get3A_111, %add3A_113 : vector<16xi32>
        %swap3A_115 = arith.constant 80 : index
        %swap3A_116 = tpu.vector_load %arg20[%swap3A_115] {strides = array<i32>} : memref<128xi32, #tpu.memory_space<vmem>>, vector<16xi32>,
        tpu.vector_store %arg20[%swap3A_115], %add3A_114 {strides = array<i32>} : memref<128xi32, #tpu.memory_space<vmem>>, vector<16xi32>,
        %add3A_117 = arith.constant 96 : i32
        %add3A_118 = arith.addi %mul3A_27, %add3A_117 : i32
        %get3A_119 = arith.index_cast %add3A_118 : i32 to index
        %get3A_120 = tpu.vector_load %arg17[%get3A_119] {strides = array<i32>} : memref<5120xi32, #tpu.memory_space<vmem>>, vector<16xi32>,
        %swap3A_121 = arith.constant 96 : index
        %swap3A_122 = tpu.vector_load %arg19[%swap3A_121] {strides = array<i32>} : memref<128xi32, #tpu.memory_space<vmem>>, vector<16xi32>,
        tpu.vector_store %arg19[%swap3A_121], %get3A_120 {strides = array<i32>} : memref<128xi32, #tpu.memory_space<vmem>>, vector<16xi32>,
        %add3A_123 = arith.constant 96 : i32
        %add3A_124 = arith.addi %mul3A_27, %add3A_123 : i32
        %get3A_125 = arith.index_cast %add3A_124 : i32 to index
        %get3A_126 = tpu.vector_load %arg18[%get3A_125] {strides = array<i32>} : memref<5120xi32, #tpu.memory_space<vmem>>, vector<16xi32>,
        %add3A_127 = arith.constant 8000 : i32
        %add3A_128 = vector.broadcast %add3A_127 : i32 to vector<16xi32>
        %add3A_129 = arith.addi %get3A_126, %add3A_128 : vector<16xi32>
        %swap3A_130 = arith.constant 96 : index
        %swap3A_131 = tpu.vector_load %arg20[%swap3A_130] {strides = array<i32>} : memref<128xi32, #tpu.memory_space<vmem>>, vector<16xi32>,
        tpu.vector_store %arg20[%swap3A_130], %add3A_129 {strides = array<i32>} : memref<128xi32, #tpu.memory_space<vmem>>, vector<16xi32>,
        %add3A_132 = arith.constant 112 : i32
        %add3A_133 = arith.addi %mul3A_27, %add3A_132 : i32
        %get3A_134 = arith.index_cast %add3A_133 : i32 to index
        %get3A_135 = tpu.vector_load %arg17[%get3A_134] {strides = array<i32>} : memref<5120xi32, #tpu.memory_space<vmem>>, vector<16xi32>,
        %swap3A_136 = arith.constant 112 : index
        %swap3A_137 = tpu.vector_load %arg19[%swap3A_136] {strides = array<i32>} : memref<128xi32, #tpu.memory_space<vmem>>, vector<16xi32>,
        tpu.vector_store %arg19[%swap3A_136], %get3A_135 {strides = array<i32>} : memref<128xi32, #tpu.memory_space<vmem>>, vector<16xi32>,
        %add3A_138 = arith.constant 112 : i32
        %add3A_139 = arith.addi %mul3A_27, %add3A_138 : i32
        %get3A_140 = arith.index_cast %add3A_139 : i32 to index
        %get3A_141 = tpu.vector_load %arg18[%get3A_140] {strides = array<i32>} : memref<5120xi32, #tpu.memory_space<vmem>>, vector<16xi32>,
        %add3A_142 = arith.constant 8000 : i32
        %add3A_143 = vector.broadcast %add3A_142 : i32 to vector<16xi32>
        %add3A_144 = arith.addi %get3A_141, %add3A_143 : vector<16xi32>
        %swap3A_145 = arith.constant 112 : index
        %swap3A_146 = tpu.vector_load %arg20[%swap3A_145] {strides = array<i32>} : memref<128xi32, #tpu.memory_space<vmem>>, vector<16xi32>,
        tpu.vector_store %arg20[%swap3A_145], %add3A_144 {strides = array<i32>} : memref<128xi32, #tpu.memory_space<vmem>>, vector<16xi32>,
        %dma_start3A = arith.constant 0 : i32
        %dma_start3A_147 = arith.constant 0 : i32
        %dma_start3A_148 = tpu.memref_slice %arg2[%dma_start3A, %dma_start3A_147] : memref<10240x128xf32, #tpu.memory_space<hbm>> -> memref<10240x128xf32, #tpu.memory_space<hbm>>
        tpu.enqueue_indirect_dma source(%dma_start3A_148 : memref<10240x128xf32, #tpu.memory_space<hbm>>) target(%arg21 : memref<128x128xf32, #tpu.memory_space<vmem>>) offsets(%arg19 : memref<128xi32, #tpu.memory_space<vmem>>) semaphore(%arg26 : memref<!tpu.dma_semaphore, #tpu.memory_space<semaphore_mem>>)
        %dma_start3A_149 = arith.constant 0 : i32
        %dma_start3A_150 = arith.constant 0 : i32
        %dma_start3A_151 = tpu.memref_slice %arg3[%dma_start3A_149, %dma_start3A_150] : memref<10240x128xf32, #tpu.memory_space<hbm>> -> memref<10240x128xf32, #tpu.memory_space<hbm>>
        tpu.enqueue_indirect_dma source(%dma_start3A_151 : memref<10240x128xf32, #tpu.memory_space<hbm>>) target(%arg22 : memref<128x128xf32, #tpu.memory_space<vmem>>) offsets(%arg20 : memref<128xi32, #tpu.memory_space<vmem>>) semaphore(%arg26 : memref<!tpu.dma_semaphore, #tpu.memory_space<semaphore_mem>>)
        %dma_start3A_152 = arith.constant 0 : i32
        %dma_start3A_153 = arith.constant 0 : i32
        %dma_start3A_154 = tpu.memref_slice %arg4[%dma_start3A_152, %dma_start3A_153] : memref<10240x16xf32, #tpu.memory_space<hbm>> -> memref<10240x16xf32, #tpu.memory_space<hbm>>
        tpu.enqueue_indirect_dma source(%dma_start3A_154 : memref<10240x16xf32, #tpu.memory_space<hbm>>) target(%arg23 : memref<128x16xf32, #tpu.memory_space<vmem>>) offsets(%arg19 : memref<128xi32, #tpu.memory_space<vmem>>) semaphore(%arg26 : memref<!tpu.dma_semaphore, #tpu.memory_space<semaphore_mem>>)
        %dma_start3A_155 = arith.constant 0 : i32
        %dma_start3A_156 = arith.constant 0 : i32
        %dma_start3A_157 = tpu.memref_slice %arg4[%dma_start3A_155, %dma_start3A_156] : memref<10240x16xf32, #tpu.memory_space<hbm>> -> memref<10240x16xf32, #tpu.memory_space<hbm>>
        tpu.enqueue_indirect_dma source(%dma_start3A_157 : memref<10240x16xf32, #tpu.memory_space<hbm>>) target(%arg24 : memref<128x16xf32, #tpu.memory_space<vmem>>) offsets(%arg20 : memref<128xi32, #tpu.memory_space<vmem>>) semaphore(%arg26 : memref<!tpu.dma_semaphore, #tpu.memory_space<semaphore_mem>>)
        %dma_wait3A = arith.constant 0 : i32
        %dma_wait3A_158 = arith.constant 0 : i32
        %dma_wait3A_159 = tpu.memref_slice %arg2[%dma_wait3A, %dma_wait3A_158] : memref<10240x128xf32, #tpu.memory_space<hbm>> -> memref<10240x128xf32, #tpu.memory_space<hbm>>
        tpu.wait_indirect_dma semaphore(%arg26 : memref<!tpu.dma_semaphore, #tpu.memory_space<semaphore_mem>>) src(%dma_wait3A_159 : memref<10240x128xf32, #tpu.memory_space<hbm>>) dst(%arg21 : memref<128x128xf32, #tpu.memory_space<vmem>>)
        %dma_wait3A_160 = arith.constant 0 : i32
        %dma_wait3A_161 = arith.constant 0 : i32
        %dma_wait3A_162 = tpu.memref_slice %arg3[%dma_wait3A_160, %dma_wait3A_161] : memref<10240x128xf32, #tpu.memory_space<hbm>> -> memref<10240x128xf32, #tpu.memory_space<hbm>>
        tpu.wait_indirect_dma semaphore(%arg26 : memref<!tpu.dma_semaphore, #tpu.memory_space<semaphore_mem>>) src(%dma_wait3A_162 : memref<10240x128xf32, #tpu.memory_space<hbm>>) dst(%arg22 : memref<128x128xf32, #tpu.memory_space<vmem>>)
        %dma_wait3A_163 = arith.constant 0 : i32
        %dma_wait3A_164 = arith.constant 0 : i32
        %dma_wait3A_165 = tpu.memref_slice %arg4[%dma_wait3A_163, %dma_wait3A_164] : memref<10240x16xf32, #tpu.memory_space<hbm>> -> memref<10240x16xf32, #tpu.memory_space<hbm>>
        tpu.wait_indirect_dma semaphore(%arg26 : memref<!tpu.dma_semaphore, #tpu.memory_space<semaphore_mem>>) src(%dma_wait3A_165 : memref<10240x16xf32, #tpu.memory_space<hbm>>) dst(%arg23 : memref<128x16xf32, #tpu.memory_space<vmem>>)
        %dma_wait3A_166 = arith.constant 0 : i32
        %dma_wait3A_167 = arith.constant 0 : i32
        %dma_wait3A_168 = tpu.memref_slice %arg4[%dma_wait3A_166, %dma_wait3A_167] : memref<10240x16xf32, #tpu.memory_space<hbm>> -> memref<10240x16xf32, #tpu.memory_space<hbm>>
        tpu.wait_indirect_dma semaphore(%arg26 : memref<!tpu.dma_semaphore, #tpu.memory_space<semaphore_mem>>) src(%dma_wait3A_168 : memref<10240x16xf32, #tpu.memory_space<hbm>>) dst(%arg24 : memref<128x16xf32, #tpu.memory_space<vmem>>)
        %add3A_169 = arith.addi %mul3A_2, %mul3A_27 : i32
        "tpu.region"() ({
          %run_scoped3A = tpu.sem_alloc : memref<!tpu.dma_semaphore, #tpu.memory_space<semaphore_mem>>
          %dma_start3A_173 = arith.constant 0 : i32
          %dma_start3A_174 = tpu.memref_slice %arg9[%add3A_169, %dma_start3A_173] : memref<163840x128xf32, #tpu.memory_space<hbm>> -> memref<128x128xf32, #tpu.memory_space<hbm>>
          %dma_start3A_175 = arith.constant 0 : i32
          %dma_start3A_176 = tpu.memref_slice %arg9[%add3A_169, %dma_start3A_175] : memref<163840x128xf32, #tpu.memory_space<hbm>> -> memref<128x128xf32, #tpu.memory_space<hbm>>
          tpu.enqueue_dma source(%arg21 : memref<128x128xf32, #tpu.memory_space<vmem>>) target(%dma_start3A_176 : memref<128x128xf32, #tpu.memory_space<hbm>>) target_semaphore(%run_scoped3A : memref<!tpu.dma_semaphore, #tpu.memory_space<semaphore_mem>>)
          %dma_wait3A_177 = arith.constant 0 : i32
          %dma_wait3A_178 = tpu.memref_slice %arg9[%add3A_169, %dma_wait3A_177] : memref<163840x128xf32, #tpu.memory_space<hbm>> -> memref<128x128xf32, #tpu.memory_space<hbm>>
          %dma_wait3A_179 = arith.constant 0 : i32
          %dma_wait3A_180 = tpu.memref_slice %arg9[%add3A_169, %dma_wait3A_179] : memref<163840x128xf32, #tpu.memory_space<hbm>> -> memref<128x128xf32, #tpu.memory_space<hbm>>
          tpu.wait_dma2 semaphore(%run_scoped3A : memref<!tpu.dma_semaphore, #tpu.memory_space<semaphore_mem>>) src(%arg21 : memref<128x128xf32, #tpu.memory_space<vmem>>) dst(%dma_wait3A_180 : memref<128x128xf32, #tpu.memory_space<hbm>>)
          tpu.yield
        }) : () -> ()
        %add3A_170 = arith.addi %mul3A_2, %mul3A_27 : i32
        "tpu.region"() ({
          %run_scoped3A = tpu.sem_alloc : memref<!tpu.dma_semaphore, #tpu.memory_space<semaphore_mem>>
          %dma_start3A_173 = arith.constant 0 : i32
          %dma_start3A_174 = tpu.memref_slice %arg10[%add3A_170, %dma_start3A_173] : memref<163840x128xf32, #tpu.memory_space<hbm>> -> memref<128x128xf32, #tpu.memory_space<hbm>>
          %dma_start3A_175 = arith.constant 0 : i32
          %dma_start3A_176 = tpu.memref_slice %arg10[%add3A_170, %dma_start3A_175] : memref<163840x128xf32, #tpu.memory_space<hbm>> -> memref<128x128xf32, #tpu.memory_space<hbm>>
          tpu.enqueue_dma source(%arg22 : memref<128x128xf32, #tpu.memory_space<vmem>>) target(%dma_start3A_176 : memref<128x128xf32, #tpu.memory_space<hbm>>) target_semaphore(%run_scoped3A : memref<!tpu.dma_semaphore, #tpu.memory_space<semaphore_mem>>)
          %dma_wait3A_177 = arith.constant 0 : i32
          %dma_wait3A_178 = tpu.memref_slice %arg10[%add3A_170, %dma_wait3A_177] : memref<163840x128xf32, #tpu.memory_space<hbm>> -> memref<128x128xf32, #tpu.memory_space<hbm>>
          %dma_wait3A_179 = arith.constant 0 : i32
          %dma_wait3A_180 = tpu.memref_slice %arg10[%add3A_170, %dma_wait3A_179] : memref<163840x128xf32, #tpu.memory_space<hbm>> -> memref<128x128xf32, #tpu.memory_space<hbm>>
          tpu.wait_dma2 semaphore(%run_scoped3A : memref<!tpu.dma_semaphore, #tpu.memory_space<semaphore_mem>>) src(%arg22 : memref<128x128xf32, #tpu.memory_space<vmem>>) dst(%dma_wait3A_180 : memref<128x128xf32, #tpu.memory_space<hbm>>)
          tpu.yield
        }) : () -> ()
        %add3A_171 = arith.addi %mul3A_2, %mul3A_27 : i32
        "tpu.region"() ({
          %run_scoped3A = tpu.sem_alloc : memref<!tpu.dma_semaphore, #tpu.memory_space<semaphore_mem>>
          %dma_start3A_173 = arith.constant 0 : i32
          %dma_start3A_174 = tpu.memref_slice %arg11[%add3A_171, %dma_start3A_173] : memref<163840x16xf32, #tpu.memory_space<hbm>> -> memref<128x16xf32, #tpu.memory_space<hbm>>
          %dma_start3A_175 = arith.constant 0 : i32
          %dma_start3A_176 = tpu.memref_slice %arg11[%add3A_171, %dma_start3A_175] : memref<163840x16xf32, #tpu.memory_space<hbm>> -> memref<128x16xf32, #tpu.memory_space<hbm>>
          tpu.enqueue_dma source(%arg23 : memref<128x16xf32, #tpu.memory_space<vmem>>) target(%dma_start3A_176 : memref<128x16xf32, #tpu.memory_space<hbm>>) target_semaphore(%run_scoped3A : memref<!tpu.dma_semaphore, #tpu.memory_space<semaphore_mem>>)
          %dma_wait3A_177 = arith.constant 0 : i32
          %dma_wait3A_178 = tpu.memref_slice %arg11[%add3A_171, %dma_wait3A_177] : memref<163840x16xf32, #tpu.memory_space<hbm>> -> memref<128x16xf32, #tpu.memory_space<hbm>>
          %dma_wait3A_179 = arith.constant 0 : i32
          %dma_wait3A_180 = tpu.memref_slice %arg11[%add3A_171, %dma_wait3A_179] : memref<163840x16xf32, #tpu.memory_space<hbm>> -> memref<128x16xf32, #tpu.memory_space<hbm>>
          tpu.wait_dma2 semaphore(%run_scoped3A : memref<!tpu.dma_semaphore, #tpu.memory_space<semaphore_mem>>) src(%arg23 : memref<128x16xf32, #tpu.memory_space<vmem>>) dst(%dma_wait3A_180 : memref<128x16xf32, #tpu.memory_space<hbm>>)
          tpu.yield
        }) : () -> ()
        %add3A_172 = arith.addi %mul3A_2, %mul3A_27 : i32
        "tpu.region"() ({
          %run_scoped3A = tpu.sem_alloc : memref<!tpu.dma_semaphore, #tpu.memory_space<semaphore_mem>>
          %dma_start3A_173 = arith.constant 0 : i32
          %dma_start3A_174 = tpu.memref_slice %arg12[%add3A_172, %dma_start3A_173] : memref<163840x16xf32, #tpu.memory_space<hbm>> -> memref<128x16xf32, #tpu.memory_space<hbm>>
          %dma_start3A_175 = arith.constant 0 : i32
          %dma_start3A_176 = tpu.memref_slice %arg12[%add3A_172, %dma_start3A_175] : memref<163840x16xf32, #tpu.memory_space<hbm>> -> memref<128x16xf32, #tpu.memory_space<hbm>>
          tpu.enqueue_dma source(%arg24 : memref<128x16xf32, #tpu.memory_space<vmem>>) target(%dma_start3A_176 : memref<128x16xf32, #tpu.memory_space<hbm>>) target_semaphore(%run_scoped3A : memref<!tpu.dma_semaphore, #tpu.memory_space<semaphore_mem>>)
          %dma_wait3A_177 = arith.constant 0 : i32
          %dma_wait3A_178 = tpu.memref_slice %arg12[%add3A_172, %dma_wait3A_177] : memref<163840x16xf32, #tpu.memory_space<hbm>> -> memref<128x16xf32, #tpu.memory_space<hbm>>
          %dma_wait3A_179 = arith.constant 0 : i32
          %dma_wait3A_180 = tpu.memref_slice %arg12[%add3A_172, %dma_wait3A_179] : memref<163840x16xf32, #tpu.memory_space<hbm>> -> memref<128x16xf32, #tpu.memory_space<hbm>>
          tpu.wait_dma2 semaphore(%run_scoped3A : memref<!tpu.dma_semaphore, #tpu.memory_space<semaphore_mem>>) src(%arg24 : memref<128x16xf32, #tpu.memory_space<vmem>>) dst(%dma_wait3A_180 : memref<128x16xf32, #tpu.memory_space<hbm>>)
          tpu.yield
        }) : () -> ()
      } else {
      }
    }
    %scan3A_21 = arith.constant 40 : i32
    return
  }
}

#map = affine_map<(d0, d1) -> (0, 0)>
#map1 = affine_map<(d0, d1) -> (0)>
#map2 = affine_map<(d0, d1) -> (0, 0, 0)>
module attributes {stable_mosaic.version = 14 : i64} {
  func.func @_sc_scatter_kernel(%arg0: i32, %arg1: i32, %arg2: memref<163840x128xf32, #tpu.memory_space<hbm>>, %arg3: memref<163840x16xf32, #tpu.memory_space<hbm>>, %arg4: memref<163840xi32, #tpu.memory_space<hbm>>, %arg5: memref<32x16xi32, #tpu.memory_space<hbm>>, %arg6: memref<2x2240x128xf32, #tpu.memory_space<hbm>>, %arg7: memref<2x2240x16xf32, #tpu.memory_space<hbm>>, %arg8: memref<128xi32, #tpu.memory_space<vmem>>, %arg9: memref<128x128xf32, #tpu.memory_space<vmem>>, %arg10: memref<128x16xf32, #tpu.memory_space<vmem>>, %arg11: memref<128x128xf32, #tpu.memory_space<vmem>>, %arg12: memref<128x16xf32, #tpu.memory_space<vmem>>, %arg13: memref<16xi32, #tpu.memory_space<vmem>>, %arg14: memref<2304x128xf32, #tpu.memory_space<vmem_shared>>, %arg15: memref<2304x16xf32, #tpu.memory_space<vmem_shared>>) attributes {dimension_semantics = [#tpu.dimension_semantics<core_parallel>, #tpu.dimension_semantics<subcore_parallel>], iteration_bounds = array<i64: 2, 16>, scalar_prefetch = 0 : i64, scratch_operands = 8 : i64, tpu.core_type = #tpu.core_type<sc_vector_subcore>, window_params = [{transform_indices = #map}, {transform_indices = #map}, {transform_indices = #map1}, {transform_indices = #map}, {transform_indices = #map2}, {transform_indices = #map2}]} {
    %mul3A = arith.constant 2 : i32
    %mul3A_0 = arith.muli %arg1, %mul3A : i32
    %add3A = arith.addi %mul3A_0, %arg0 : i32
    "tpu.region"() ({
      %run_scoped3A = tpu.sem_alloc : memref<!tpu.dma_semaphore, #tpu.memory_space<semaphore_mem>>
      %dma_start3A = arith.constant 0 : i32
      %dma_start3A_29 = tpu.memref_slice %arg5[%add3A, %dma_start3A] : memref<32x16xi32, #tpu.memory_space<hbm>> -> memref<1x16xi32, #tpu.memory_space<hbm>>
      %dma_start3A_30 = tpu.memref_squeeze %dma_start3A_29 : memref<1x16xi32, #tpu.memory_space<hbm>> -> memref<16xi32, #tpu.memory_space<hbm>>
      %dma_start3A_31 = arith.constant 0 : i32
      %dma_start3A_32 = tpu.memref_slice %arg5[%add3A, %dma_start3A_31] : memref<32x16xi32, #tpu.memory_space<hbm>> -> memref<1x16xi32, #tpu.memory_space<hbm>>
      %dma_start3A_33 = tpu.memref_squeeze %dma_start3A_32 : memref<1x16xi32, #tpu.memory_space<hbm>> -> memref<16xi32, #tpu.memory_space<hbm>>
      tpu.enqueue_dma source(%dma_start3A_33 : memref<16xi32, #tpu.memory_space<hbm>>) target(%arg13 : memref<16xi32, #tpu.memory_space<vmem>>) target_semaphore(%run_scoped3A : memref<!tpu.dma_semaphore, #tpu.memory_space<semaphore_mem>>)
      %dma_wait3A = arith.constant 0 : i32
      %dma_wait3A_34 = tpu.memref_slice %arg5[%add3A, %dma_wait3A] : memref<32x16xi32, #tpu.memory_space<hbm>> -> memref<1x16xi32, #tpu.memory_space<hbm>>
      %dma_wait3A_35 = tpu.memref_squeeze %dma_wait3A_34 : memref<1x16xi32, #tpu.memory_space<hbm>> -> memref<16xi32, #tpu.memory_space<hbm>>
      %dma_wait3A_36 = arith.constant 0 : i32
      %dma_wait3A_37 = tpu.memref_slice %arg5[%add3A, %dma_wait3A_36] : memref<32x16xi32, #tpu.memory_space<hbm>> -> memref<1x16xi32, #tpu.memory_space<hbm>>
      %dma_wait3A_38 = tpu.memref_squeeze %dma_wait3A_37 : memref<1x16xi32, #tpu.memory_space<hbm>> -> memref<16xi32, #tpu.memory_space<hbm>>
      tpu.wait_dma2 semaphore(%run_scoped3A : memref<!tpu.dma_semaphore, #tpu.memory_space<semaphore_mem>>) src(%dma_wait3A_38 : memref<16xi32, #tpu.memory_space<hbm>>) dst(%arg13 : memref<16xi32, #tpu.memory_space<vmem>>)
      tpu.yield
    }) : () -> ()
    %get3A = arith.constant 0 : index
    %get3A_1 = tpu.vector_load %arg13[%get3A] {strides = array<i32>} : memref<16xi32, #tpu.memory_space<vmem>>, vector<16xi32>,
    %reduce_max3A = arith.constant true
    %reduce_max3A_2 = vector.broadcast %reduce_max3A : i1 to vector<16xi1>
    %reduce_max3A_3 = arith.constant -2147483648 : i32
    %reduce_max3A_4 = vector.broadcast %reduce_max3A_3 : i32 to vector<16xi32>
    %reduce_max3A_5 = arith.xori %get3A_1, %reduce_max3A_4 : vector<16xi32>
    %reduce_max3A_6 = tpu.scan <max>, %reduce_max3A_5 masked %reduce_max3A_2 : vector<16xi32>, vector<16xi1> -> vector<16xi32>
    %reduce_max3A_7 = arith.xori %reduce_max3A_6, %reduce_max3A_4 : vector<16xi32>
    %reduce_max3A_8 = vector.extract %reduce_max3A_7[15] : i32 from vector<16xi32>
    %scan3A = arith.constant 0 : i32
    %scan3A_9 = arith.constant 0 : i32
    %scan3A_10 = arith.constant 128 : i32
    %scan3A_11 = arith.addi %scan3A_9, %scan3A_10 : i32
    %scan3A_12 = arith.constant 1 : i32
    scf.for %scan3A_29 = %scan3A_9 to %scan3A_11 step %scan3A_12  : i32 {
      %broadcast_in_dim3A = arith.constant 0.000000e+00 : f32
      %broadcast_in_dim3A_30 = vector.broadcast %broadcast_in_dim3A : f32 to vector<16xf32>
      %swap3A = arith.index_cast %scan3A_29 : i32 to index
      %swap3A_31 = arith.constant 0 : index
      %swap3A_32 = tpu.vector_load %arg11[%swap3A, %swap3A_31] {strides = array<i32>} : memref<128x128xf32, #tpu.memory_space<vmem>>, vector<16xf32>,
      tpu.vector_store %arg11[%swap3A, %swap3A_31], %broadcast_in_dim3A_30 {strides = array<i32>} : memref<128x128xf32, #tpu.memory_space<vmem>>, vector<16xf32>,
      %broadcast_in_dim3A_33 = arith.constant 0.000000e+00 : f32
      %broadcast_in_dim3A_34 = vector.broadcast %broadcast_in_dim3A_33 : f32 to vector<16xf32>
      %swap3A_35 = arith.index_cast %scan3A_29 : i32 to index
      %swap3A_36 = arith.constant 16 : index
      %swap3A_37 = tpu.vector_load %arg11[%swap3A_35, %swap3A_36] {strides = array<i32>} : memref<128x128xf32, #tpu.memory_space<vmem>>, vector<16xf32>,
      tpu.vector_store %arg11[%swap3A_35, %swap3A_36], %broadcast_in_dim3A_34 {strides = array<i32>} : memref<128x128xf32, #tpu.memory_space<vmem>>, vector<16xf32>,
      %broadcast_in_dim3A_38 = arith.constant 0.000000e+00 : f32
      %broadcast_in_dim3A_39 = vector.broadcast %broadcast_in_dim3A_38 : f32 to vector<16xf32>
      %swap3A_40 = arith.index_cast %scan3A_29 : i32 to index
      %swap3A_41 = arith.constant 32 : index
      %swap3A_42 = tpu.vector_load %arg11[%swap3A_40, %swap3A_41] {strides = array<i32>} : memref<128x128xf32, #tpu.memory_space<vmem>>, vector<16xf32>,
      tpu.vector_store %arg11[%swap3A_40, %swap3A_41], %broadcast_in_dim3A_39 {strides = array<i32>} : memref<128x128xf32, #tpu.memory_space<vmem>>, vector<16xf32>,
      %broadcast_in_dim3A_43 = arith.constant 0.000000e+00 : f32
      %broadcast_in_dim3A_44 = vector.broadcast %broadcast_in_dim3A_43 : f32 to vector<16xf32>
      %swap3A_45 = arith.index_cast %scan3A_29 : i32 to index
      %swap3A_46 = arith.constant 48 : index
      %swap3A_47 = tpu.vector_load %arg11[%swap3A_45, %swap3A_46] {strides = array<i32>} : memref<128x128xf32, #tpu.memory_space<vmem>>, vector<16xf32>,
      tpu.vector_store %arg11[%swap3A_45, %swap3A_46], %broadcast_in_dim3A_44 {strides = array<i32>} : memref<128x128xf32, #tpu.memory_space<vmem>>, vector<16xf32>,
      %broadcast_in_dim3A_48 = arith.constant 0.000000e+00 : f32
      %broadcast_in_dim3A_49 = vector.broadcast %broadcast_in_dim3A_48 : f32 to vector<16xf32>
      %swap3A_50 = arith.index_cast %scan3A_29 : i32 to index
      %swap3A_51 = arith.constant 64 : index
      %swap3A_52 = tpu.vector_load %arg11[%swap3A_50, %swap3A_51] {strides = array<i32>} : memref<128x128xf32, #tpu.memory_space<vmem>>, vector<16xf32>,
      tpu.vector_store %arg11[%swap3A_50, %swap3A_51], %broadcast_in_dim3A_49 {strides = array<i32>} : memref<128x128xf32, #tpu.memory_space<vmem>>, vector<16xf32>,
      %broadcast_in_dim3A_53 = arith.constant 0.000000e+00 : f32
      %broadcast_in_dim3A_54 = vector.broadcast %broadcast_in_dim3A_53 : f32 to vector<16xf32>
      %swap3A_55 = arith.index_cast %scan3A_29 : i32 to index
      %swap3A_56 = arith.constant 80 : index
      %swap3A_57 = tpu.vector_load %arg11[%swap3A_55, %swap3A_56] {strides = array<i32>} : memref<128x128xf32, #tpu.memory_space<vmem>>, vector<16xf32>,
      tpu.vector_store %arg11[%swap3A_55, %swap3A_56], %broadcast_in_dim3A_54 {strides = array<i32>} : memref<128x128xf32, #tpu.memory_space<vmem>>, vector<16xf32>,
      %broadcast_in_dim3A_58 = arith.constant 0.000000e+00 : f32
      %broadcast_in_dim3A_59 = vector.broadcast %broadcast_in_dim3A_58 : f32 to vector<16xf32>
      %swap3A_60 = arith.index_cast %scan3A_29 : i32 to index
      %swap3A_61 = arith.constant 96 : index
      %swap3A_62 = tpu.vector_load %arg11[%swap3A_60, %swap3A_61] {strides = array<i32>} : memref<128x128xf32, #tpu.memory_space<vmem>>, vector<16xf32>,
      tpu.vector_store %arg11[%swap3A_60, %swap3A_61], %broadcast_in_dim3A_59 {strides = array<i32>} : memref<128x128xf32, #tpu.memory_space<vmem>>, vector<16xf32>,
      %broadcast_in_dim3A_63 = arith.constant 0.000000e+00 : f32
      %broadcast_in_dim3A_64 = vector.broadcast %broadcast_in_dim3A_63 : f32 to vector<16xf32>
      %swap3A_65 = arith.index_cast %scan3A_29 : i32 to index
      %swap3A_66 = arith.constant 112 : index
      %swap3A_67 = tpu.vector_load %arg11[%swap3A_65, %swap3A_66] {strides = array<i32>} : memref<128x128xf32, #tpu.memory_space<vmem>>, vector<16xf32>,
      tpu.vector_store %arg11[%swap3A_65, %swap3A_66], %broadcast_in_dim3A_64 {strides = array<i32>} : memref<128x128xf32, #tpu.memory_space<vmem>>, vector<16xf32>,
      %broadcast_in_dim3A_68 = arith.constant 0.000000e+00 : f32
      %broadcast_in_dim3A_69 = vector.broadcast %broadcast_in_dim3A_68 : f32 to vector<16xf32>
      %swap3A_70 = arith.index_cast %scan3A_29 : i32 to index
      %swap3A_71 = arith.constant 0 : index
      %swap3A_72 = tpu.vector_load %arg12[%swap3A_70, %swap3A_71] {strides = array<i32>} : memref<128x16xf32, #tpu.memory_space<vmem>>, vector<16xf32>,
      tpu.vector_store %arg12[%swap3A_70, %swap3A_71], %broadcast_in_dim3A_69 {strides = array<i32>} : memref<128x16xf32, #tpu.memory_space<vmem>>, vector<16xf32>,
    }
    %scan3A_13 = arith.constant 128 : i32
    %mul3A_14 = arith.constant 144 : i32
    %mul3A_15 = arith.muli %arg1, %mul3A_14 : i32
    "tpu.region"() ({
      %run_scoped3A = tpu.sem_alloc : memref<!tpu.dma_semaphore, #tpu.memory_space<semaphore_mem>>
      %dma_start3A = arith.constant 0 : i32
      %dma_start3A_29 = tpu.memref_slice %arg14[%mul3A_15, %dma_start3A] : memref<2304x128xf32, #tpu.memory_space<vmem_shared>> -> memref<128x128xf32, #tpu.memory_space<vmem_shared>>
      %dma_start3A_30 = arith.constant 0 : i32
      %dma_start3A_31 = tpu.memref_slice %arg14[%mul3A_15, %dma_start3A_30] : memref<2304x128xf32, #tpu.memory_space<vmem_shared>> -> memref<128x128xf32, #tpu.memory_space<vmem_shared>>
      tpu.enqueue_dma source(%arg11 : memref<128x128xf32, #tpu.memory_space<vmem>>) target(%dma_start3A_31 : memref<128x128xf32, #tpu.memory_space<vmem_shared>>) target_semaphore(%run_scoped3A : memref<!tpu.dma_semaphore, #tpu.memory_space<semaphore_mem>>)
      %dma_wait3A = arith.constant 0 : i32
      %dma_wait3A_32 = tpu.memref_slice %arg14[%mul3A_15, %dma_wait3A] : memref<2304x128xf32, #tpu.memory_space<vmem_shared>> -> memref<128x128xf32, #tpu.memory_space<vmem_shared>>
      %dma_wait3A_33 = arith.constant 0 : i32
      %dma_wait3A_34 = tpu.memref_slice %arg14[%mul3A_15, %dma_wait3A_33] : memref<2304x128xf32, #tpu.memory_space<vmem_shared>> -> memref<128x128xf32, #tpu.memory_space<vmem_shared>>
      tpu.wait_dma2 semaphore(%run_scoped3A : memref<!tpu.dma_semaphore, #tpu.memory_space<semaphore_mem>>) src(%arg11 : memref<128x128xf32, #tpu.memory_space<vmem>>) dst(%dma_wait3A_34 : memref<128x128xf32, #tpu.memory_space<vmem_shared>>)
      tpu.yield
    }) : () -> ()
    "tpu.region"() ({
      %run_scoped3A = tpu.sem_alloc : memref<!tpu.dma_semaphore, #tpu.memory_space<semaphore_mem>>
      %dma_start3A = arith.constant 0 : i32
      %dma_start3A_29 = tpu.memref_slice %arg15[%mul3A_15, %dma_start3A] : memref<2304x16xf32, #tpu.memory_space<vmem_shared>> -> memref<128x16xf32, #tpu.memory_space<vmem_shared>>
      %dma_start3A_30 = arith.constant 0 : i32
      %dma_start3A_31 = tpu.memref_slice %arg15[%mul3A_15, %dma_start3A_30] : memref<2304x16xf32, #tpu.memory_space<vmem_shared>> -> memref<128x16xf32, #tpu.memory_space<vmem_shared>>
      tpu.enqueue_dma source(%arg12 : memref<128x16xf32, #tpu.memory_space<vmem>>) target(%dma_start3A_31 : memref<128x16xf32, #tpu.memory_space<vmem_shared>>) target_semaphore(%run_scoped3A : memref<!tpu.dma_semaphore, #tpu.memory_space<semaphore_mem>>)
      %dma_wait3A = arith.constant 0 : i32
      %dma_wait3A_32 = tpu.memref_slice %arg15[%mul3A_15, %dma_wait3A] : memref<2304x16xf32, #tpu.memory_space<vmem_shared>> -> memref<128x16xf32, #tpu.memory_space<vmem_shared>>
      %dma_wait3A_33 = arith.constant 0 : i32
      %dma_wait3A_34 = tpu.memref_slice %arg15[%mul3A_15, %dma_wait3A_33] : memref<2304x16xf32, #tpu.memory_space<vmem_shared>> -> memref<128x16xf32, #tpu.memory_space<vmem_shared>>
      tpu.wait_dma2 semaphore(%run_scoped3A : memref<!tpu.dma_semaphore, #tpu.memory_space<semaphore_mem>>) src(%arg12 : memref<128x16xf32, #tpu.memory_space<vmem>>) dst(%dma_wait3A_34 : memref<128x16xf32, #tpu.memory_space<vmem_shared>>)
      tpu.yield
    }) : () -> ()
    %add3A_16 = arith.constant 128 : i32
    %add3A_17 = arith.addi %mul3A_15, %add3A_16 : i32
    "tpu.region"() ({
      %run_scoped3A = tpu.sem_alloc : memref<!tpu.dma_semaphore, #tpu.memory_space<semaphore_mem>>
      %dma_start3A = arith.constant 0 : i32
      %dma_start3A_29 = arith.constant 0 : i32
      %dma_start3A_30 = tpu.memref_slice %arg11[%dma_start3A, %dma_start3A_29] : memref<128x128xf32, #tpu.memory_space<vmem>> -> memref<16x128xf32, #tpu.memory_space<vmem>>
      %dma_start3A_31 = arith.constant 0 : i32
      %dma_start3A_32 = tpu.memref_slice %arg14[%add3A_17, %dma_start3A_31] : memref<2304x128xf32, #tpu.memory_space<vmem_shared>> -> memref<16x128xf32, #tpu.memory_space<vmem_shared>>
      %dma_start3A_33 = arith.constant 0 : i32
      %dma_start3A_34 = tpu.memref_slice %arg14[%add3A_17, %dma_start3A_33] : memref<2304x128xf32, #tpu.memory_space<vmem_shared>> -> memref<16x128xf32, #tpu.memory_space<vmem_shared>>
      %dma_start3A_35 = arith.constant 0 : i32
      %dma_start3A_36 = arith.constant 0 : i32
      %dma_start3A_37 = tpu.memref_slice %arg11[%dma_start3A_35, %dma_start3A_36] : memref<128x128xf32, #tpu.memory_space<vmem>> -> memref<16x128xf32, #tpu.memory_space<vmem>>
      tpu.enqueue_dma source(%dma_start3A_37 : memref<16x128xf32, #tpu.memory_space<vmem>>) target(%dma_start3A_34 : memref<16x128xf32, #tpu.memory_space<vmem_shared>>) target_semaphore(%run_scoped3A : memref<!tpu.dma_semaphore, #tpu.memory_space<semaphore_mem>>)
      %dma_wait3A = arith.constant 0 : i32
      %dma_wait3A_38 = arith.constant 0 : i32
      %dma_wait3A_39 = tpu.memref_slice %arg11[%dma_wait3A, %dma_wait3A_38] : memref<128x128xf32, #tpu.memory_space<vmem>> -> memref<16x128xf32, #tpu.memory_space<vmem>>
      %dma_wait3A_40 = arith.constant 0 : i32
      %dma_wait3A_41 = tpu.memref_slice %arg14[%add3A_17, %dma_wait3A_40] : memref<2304x128xf32, #tpu.memory_space<vmem_shared>> -> memref<16x128xf32, #tpu.memory_space<vmem_shared>>
      %dma_wait3A_42 = arith.constant 0 : i32
      %dma_wait3A_43 = tpu.memref_slice %arg14[%add3A_17, %dma_wait3A_42] : memref<2304x128xf32, #tpu.memory_space<vmem_shared>> -> memref<16x128xf32, #tpu.memory_space<vmem_shared>>
      %dma_wait3A_44 = arith.constant 0 : i32
      %dma_wait3A_45 = arith.constant 0 : i32
      %dma_wait3A_46 = tpu.memref_slice %arg11[%dma_wait3A_44, %dma_wait3A_45] : memref<128x128xf32, #tpu.memory_space<vmem>> -> memref<16x128xf32, #tpu.memory_space<vmem>>
      tpu.wait_dma2 semaphore(%run_scoped3A : memref<!tpu.dma_semaphore, #tpu.memory_space<semaphore_mem>>) src(%dma_wait3A_46 : memref<16x128xf32, #tpu.memory_space<vmem>>) dst(%dma_wait3A_43 : memref<16x128xf32, #tpu.memory_space<vmem_shared>>)
      tpu.yield
    }) : () -> ()
    %add3A_18 = arith.constant 128 : i32
    %add3A_19 = arith.addi %mul3A_15, %add3A_18 : i32
    "tpu.region"() ({
      %run_scoped3A = tpu.sem_alloc : memref<!tpu.dma_semaphore, #tpu.memory_space<semaphore_mem>>
      %dma_start3A = arith.constant 0 : i32
      %dma_start3A_29 = arith.constant 0 : i32
      %dma_start3A_30 = tpu.memref_slice %arg12[%dma_start3A, %dma_start3A_29] : memref<128x16xf32, #tpu.memory_space<vmem>> -> memref<16x16xf32, #tpu.memory_space<vmem>>
      %dma_start3A_31 = arith.constant 0 : i32
      %dma_start3A_32 = tpu.memref_slice %arg15[%add3A_19, %dma_start3A_31] : memref<2304x16xf32, #tpu.memory_space<vmem_shared>> -> memref<16x16xf32, #tpu.memory_space<vmem_shared>>
      %dma_start3A_33 = arith.constant 0 : i32
      %dma_start3A_34 = tpu.memref_slice %arg15[%add3A_19, %dma_start3A_33] : memref<2304x16xf32, #tpu.memory_space<vmem_shared>> -> memref<16x16xf32, #tpu.memory_space<vmem_shared>>
      %dma_start3A_35 = arith.constant 0 : i32
      %dma_start3A_36 = arith.constant 0 : i32
      %dma_start3A_37 = tpu.memref_slice %arg12[%dma_start3A_35, %dma_start3A_36] : memref<128x16xf32, #tpu.memory_space<vmem>> -> memref<16x16xf32, #tpu.memory_space<vmem>>
      tpu.enqueue_dma source(%dma_start3A_37 : memref<16x16xf32, #tpu.memory_space<vmem>>) target(%dma_start3A_34 : memref<16x16xf32, #tpu.memory_space<vmem_shared>>) target_semaphore(%run_scoped3A : memref<!tpu.dma_semaphore, #tpu.memory_space<semaphore_mem>>)
      %dma_wait3A = arith.constant 0 : i32
      %dma_wait3A_38 = arith.constant 0 : i32
      %dma_wait3A_39 = tpu.memref_slice %arg12[%dma_wait3A, %dma_wait3A_38] : memref<128x16xf32, #tpu.memory_space<vmem>> -> memref<16x16xf32, #tpu.memory_space<vmem>>
      %dma_wait3A_40 = arith.constant 0 : i32
      %dma_wait3A_41 = tpu.memref_slice %arg15[%add3A_19, %dma_wait3A_40] : memref<2304x16xf32, #tpu.memory_space<vmem_shared>> -> memref<16x16xf32, #tpu.memory_space<vmem_shared>>
      %dma_wait3A_42 = arith.constant 0 : i32
      %dma_wait3A_43 = tpu.memref_slice %arg15[%add3A_19, %dma_wait3A_42] : memref<2304x16xf32, #tpu.memory_space<vmem_shared>> -> memref<16x16xf32, #tpu.memory_space<vmem_shared>>
      %dma_wait3A_44 = arith.constant 0 : i32
      %dma_wait3A_45 = arith.constant 0 : i32
      %dma_wait3A_46 = tpu.memref_slice %arg12[%dma_wait3A_44, %dma_wait3A_45] : memref<128x16xf32, #tpu.memory_space<vmem>> -> memref<16x16xf32, #tpu.memory_space<vmem>>
      tpu.wait_dma2 semaphore(%run_scoped3A : memref<!tpu.dma_semaphore, #tpu.memory_space<semaphore_mem>>) src(%dma_wait3A_46 : memref<16x16xf32, #tpu.memory_space<vmem>>) dst(%dma_wait3A_43 : memref<16x16xf32, #tpu.memory_space<vmem_shared>>)
      tpu.yield
    }) : () -> ()
    %barrier3A = arith.constant 0 : index
    tpu.barrier barrier_id(%barrier3A)
    %scan3A_20 = arith.constant 0 : i32
    %scan3A_21 = arith.constant 0 : i32
    %scan3A_22 = arith.constant 40 : i32
    %scan3A_23 = arith.addi %scan3A_21, %scan3A_22 : i32
    %scan3A_24 = arith.constant 1 : i32
    scf.for %scan3A_29 = %scan3A_21 to %scan3A_23 step %scan3A_24  : i32 {
      %mul3A_30 = arith.constant 128 : i32
      %mul3A_31 = arith.muli %scan3A_29, %mul3A_30 : i32
      %lt3A = arith.cmpi slt, %mul3A_31, %reduce_max3A_8 : i32
      %convert_element_type3A = arith.extui %lt3A : i1 to i32
      %cond3A = arith.constant 0 : i32
      %cond3A_32 = arith.cmpi ne, %convert_element_type3A, %cond3A : i32
      scf.if %cond3A_32 {
        %mul3A_33 = arith.constant 5120 : i32
        %mul3A_34 = arith.muli %add3A, %mul3A_33 : i32
        %mul3A_35 = arith.constant 128 : i32
        %mul3A_36 = arith.muli %scan3A_29, %mul3A_35 : i32
        %add3A_37 = arith.addi %mul3A_34, %mul3A_36 : i32
        "tpu.region"() ({
          %run_scoped3A = tpu.sem_alloc : memref<!tpu.dma_semaphore, #tpu.memory_space<semaphore_mem>>
          %dma_start3A = tpu.memref_slice %arg4[%add3A_37] : memref<163840xi32, #tpu.memory_space<hbm>> -> memref<128xi32, #tpu.memory_space<hbm>>
          %dma_start3A_38 = tpu.memref_slice %arg4[%add3A_37] : memref<163840xi32, #tpu.memory_space<hbm>> -> memref<128xi32, #tpu.memory_space<hbm>>
          tpu.enqueue_dma source(%dma_start3A_38 : memref<128xi32, #tpu.memory_space<hbm>>) target(%arg8 : memref<128xi32, #tpu.memory_space<vmem>>) target_semaphore(%run_scoped3A : memref<!tpu.dma_semaphore, #tpu.memory_space<semaphore_mem>>)
          %dma_wait3A = tpu.memref_slice %arg4[%add3A_37] : memref<163840xi32, #tpu.memory_space<hbm>> -> memref<128xi32, #tpu.memory_space<hbm>>
          %dma_wait3A_39 = tpu.memref_slice %arg4[%add3A_37] : memref<163840xi32, #tpu.memory_space<hbm>> -> memref<128xi32, #tpu.memory_space<hbm>>
          tpu.wait_dma2 semaphore(%run_scoped3A : memref<!tpu.dma_semaphore, #tpu.memory_space<semaphore_mem>>) src(%dma_wait3A_39 : memref<128xi32, #tpu.memory_space<hbm>>) dst(%arg8 : memref<128xi32, #tpu.memory_space<vmem>>)
          tpu.yield
        }) : () -> ()
        "tpu.region"() ({
          %run_scoped3A = tpu.sem_alloc : memref<!tpu.dma_semaphore, #tpu.memory_space<semaphore_mem>>
          %dma_start3A = arith.constant 0 : i32
          %dma_start3A_38 = tpu.memref_slice %arg2[%add3A_37, %dma_start3A] : memref<163840x128xf32, #tpu.memory_space<hbm>> -> memref<128x128xf32, #tpu.memory_space<hbm>>
          %dma_start3A_39 = arith.constant 0 : i32
          %dma_start3A_40 = tpu.memref_slice %arg2[%add3A_37, %dma_start3A_39] : memref<163840x128xf32, #tpu.memory_space<hbm>> -> memref<128x128xf32, #tpu.memory_space<hbm>>
          tpu.enqueue_dma source(%dma_start3A_40 : memref<128x128xf32, #tpu.memory_space<hbm>>) target(%arg9 : memref<128x128xf32, #tpu.memory_space<vmem>>) target_semaphore(%run_scoped3A : memref<!tpu.dma_semaphore, #tpu.memory_space<semaphore_mem>>)
          %dma_wait3A = arith.constant 0 : i32
          %dma_wait3A_41 = tpu.memref_slice %arg2[%add3A_37, %dma_wait3A] : memref<163840x128xf32, #tpu.memory_space<hbm>> -> memref<128x128xf32, #tpu.memory_space<hbm>>
          %dma_wait3A_42 = arith.constant 0 : i32
          %dma_wait3A_43 = tpu.memref_slice %arg2[%add3A_37, %dma_wait3A_42] : memref<163840x128xf32, #tpu.memory_space<hbm>> -> memref<128x128xf32, #tpu.memory_space<hbm>>
          tpu.wait_dma2 semaphore(%run_scoped3A : memref<!tpu.dma_semaphore, #tpu.memory_space<semaphore_mem>>) src(%dma_wait3A_43 : memref<128x128xf32, #tpu.memory_space<hbm>>) dst(%arg9 : memref<128x128xf32, #tpu.memory_space<vmem>>)
          tpu.yield
        }) : () -> ()
        "tpu.region"() ({
          %run_scoped3A = tpu.sem_alloc : memref<!tpu.dma_semaphore, #tpu.memory_space<semaphore_mem>>
          %dma_start3A = arith.constant 0 : i32
          %dma_start3A_38 = tpu.memref_slice %arg3[%add3A_37, %dma_start3A] : memref<163840x16xf32, #tpu.memory_space<hbm>> -> memref<128x16xf32, #tpu.memory_space<hbm>>
          %dma_start3A_39 = arith.constant 0 : i32
          %dma_start3A_40 = tpu.memref_slice %arg3[%add3A_37, %dma_start3A_39] : memref<163840x16xf32, #tpu.memory_space<hbm>> -> memref<128x16xf32, #tpu.memory_space<hbm>>
          tpu.enqueue_dma source(%dma_start3A_40 : memref<128x16xf32, #tpu.memory_space<hbm>>) target(%arg10 : memref<128x16xf32, #tpu.memory_space<vmem>>) target_semaphore(%run_scoped3A : memref<!tpu.dma_semaphore, #tpu.memory_space<semaphore_mem>>)
          %dma_wait3A = arith.constant 0 : i32
          %dma_wait3A_41 = tpu.memref_slice %arg3[%add3A_37, %dma_wait3A] : memref<163840x16xf32, #tpu.memory_space<hbm>> -> memref<128x16xf32, #tpu.memory_space<hbm>>
          %dma_wait3A_42 = arith.constant 0 : i32
          %dma_wait3A_43 = tpu.memref_slice %arg3[%add3A_37, %dma_wait3A_42] : memref<163840x16xf32, #tpu.memory_space<hbm>> -> memref<128x16xf32, #tpu.memory_space<hbm>>
          tpu.wait_dma2 semaphore(%run_scoped3A : memref<!tpu.dma_semaphore, #tpu.memory_space<semaphore_mem>>) src(%dma_wait3A_43 : memref<128x16xf32, #tpu.memory_space<hbm>>) dst(%arg10 : memref<128x16xf32, #tpu.memory_space<vmem>>)
          tpu.yield
        }) : () -> ()
        "tpu.region"() ({
          %run_scoped3A = tpu.sem_alloc : memref<!tpu.dma_semaphore, #tpu.memory_space<semaphore_mem>>
          %dma_start3A = arith.constant 0 : i32
          %dma_start3A_38 = arith.constant 0 : i32
          %dma_start3A_39 = tpu.memref_slice %arg14[%dma_start3A, %dma_start3A_38] : memref<2304x128xf32, #tpu.memory_space<vmem_shared>> -> memref<2304x128xf32, #tpu.memory_space<vmem_shared>>
          tpu.enqueue_indirect_dma source(%arg9 : memref<128x128xf32, #tpu.memory_space<vmem>>) target(%dma_start3A_39 : memref<2304x128xf32, #tpu.memory_space<vmem_shared>>) offsets(%arg8 : memref<128xi32, #tpu.memory_space<vmem>>) semaphore(%run_scoped3A : memref<!tpu.dma_semaphore, #tpu.memory_space<semaphore_mem>>) {add = true}
          %dma_wait3A = arith.constant 0 : i32
          %dma_wait3A_40 = arith.constant 0 : i32
          %dma_wait3A_41 = tpu.memref_slice %arg14[%dma_wait3A, %dma_wait3A_40] : memref<2304x128xf32, #tpu.memory_space<vmem_shared>> -> memref<2304x128xf32, #tpu.memory_space<vmem_shared>>
          tpu.wait_indirect_dma semaphore(%run_scoped3A : memref<!tpu.dma_semaphore, #tpu.memory_space<semaphore_mem>>) src(%arg9 : memref<128x128xf32, #tpu.memory_space<vmem>>) dst(%dma_wait3A_41 : memref<2304x128xf32, #tpu.memory_space<vmem_shared>>)
          tpu.yield
        }) : () -> ()
        "tpu.region"() ({
          %run_scoped3A = tpu.sem_alloc : memref<!tpu.dma_semaphore, #tpu.memory_space<semaphore_mem>>
          %dma_start3A = arith.constant 0 : i32
          %dma_start3A_38 = arith.constant 0 : i32
          %dma_start3A_39 = tpu.memref_slice %arg15[%dma_start3A, %dma_start3A_38] : memref<2304x16xf32, #tpu.memory_space<vmem_shared>> -> memref<2304x16xf32, #tpu.memory_space<vmem_shared>>
          tpu.enqueue_indirect_dma source(%arg10 : memref<128x16xf32, #tpu.memory_space<vmem>>) target(%dma_start3A_39 : memref<2304x16xf32, #tpu.memory_space<vmem_shared>>) offsets(%arg8 : memref<128xi32, #tpu.memory_space<vmem>>) semaphore(%run_scoped3A : memref<!tpu.dma_semaphore, #tpu.memory_space<semaphore_mem>>) {add = true}
          %dma_wait3A = arith.constant 0 : i32
          %dma_wait3A_40 = arith.constant 0 : i32
          %dma_wait3A_41 = tpu.memref_slice %arg15[%dma_wait3A, %dma_wait3A_40] : memref<2304x16xf32, #tpu.memory_space<vmem_shared>> -> memref<2304x16xf32, #tpu.memory_space<vmem_shared>>
          tpu.wait_indirect_dma semaphore(%run_scoped3A : memref<!tpu.dma_semaphore, #tpu.memory_space<semaphore_mem>>) src(%arg10 : memref<128x16xf32, #tpu.memory_space<vmem>>) dst(%dma_wait3A_41 : memref<2304x16xf32, #tpu.memory_space<vmem_shared>>)
          tpu.yield
        }) : () -> ()
      } else {
      }
    }
    %scan3A_25 = arith.constant 40 : i32
    %barrier3A_26 = arith.constant 0 : index
    tpu.barrier barrier_id(%barrier3A_26)
    %mul3A_27 = arith.constant 140 : i32
    %mul3A_28 = arith.muli %arg1, %mul3A_27 : i32
    "tpu.region"() ({
      %run_scoped3A = tpu.sem_alloc : memref<!tpu.dma_semaphore, #tpu.memory_space<semaphore_mem>>
      %dma_start3A = arith.constant 0 : i32
      %dma_start3A_29 = tpu.memref_slice %arg6[%arg0, %mul3A_28, %dma_start3A] : memref<2x2240x128xf32, #tpu.memory_space<hbm>> -> memref<1x140x128xf32, #tpu.memory_space<hbm>>
      %dma_start3A_30 = tpu.memref_squeeze %dma_start3A_29 : memref<1x140x128xf32, #tpu.memory_space<hbm>> -> memref<140x128xf32, #tpu.memory_space<hbm>>
      %dma_start3A_31 = arith.constant 0 : i32
      %dma_start3A_32 = tpu.memref_slice %arg14[%mul3A_28, %dma_start3A_31] : memref<2304x128xf32, #tpu.memory_space<vmem_shared>> -> memref<140x128xf32, #tpu.memory_space<vmem_shared>>
      tpu.enqueue_dma source(%dma_start3A_32 : memref<140x128xf32, #tpu.memory_space<vmem_shared>>) target(%dma_start3A_30 : memref<140x128xf32, #tpu.memory_space<hbm>>) target_semaphore(%run_scoped3A : memref<!tpu.dma_semaphore, #tpu.memory_space<semaphore_mem>>)
      %dma_wait3A = arith.constant 0 : i32
      %dma_wait3A_33 = tpu.memref_slice %arg6[%arg0, %mul3A_28, %dma_wait3A] : memref<2x2240x128xf32, #tpu.memory_space<hbm>> -> memref<1x140x128xf32, #tpu.memory_space<hbm>>
      %dma_wait3A_34 = tpu.memref_squeeze %dma_wait3A_33 : memref<1x140x128xf32, #tpu.memory_space<hbm>> -> memref<140x128xf32, #tpu.memory_space<hbm>>
      %dma_wait3A_35 = arith.constant 0 : i32
      %dma_wait3A_36 = tpu.memref_slice %arg14[%mul3A_28, %dma_wait3A_35] : memref<2304x128xf32, #tpu.memory_space<vmem_shared>> -> memref<140x128xf32, #tpu.memory_space<vmem_shared>>
      tpu.wait_dma2 semaphore(%run_scoped3A : memref<!tpu.dma_semaphore, #tpu.memory_space<semaphore_mem>>) src(%dma_wait3A_36 : memref<140x128xf32, #tpu.memory_space<vmem_shared>>) dst(%dma_wait3A_34 : memref<140x128xf32, #tpu.memory_space<hbm>>)
      tpu.yield
    }) : () -> ()
    "tpu.region"() ({
      %run_scoped3A = tpu.sem_alloc : memref<!tpu.dma_semaphore, #tpu.memory_space<semaphore_mem>>
      %dma_start3A = arith.constant 0 : i32
      %dma_start3A_29 = tpu.memref_slice %arg7[%arg0, %mul3A_28, %dma_start3A] : memref<2x2240x16xf32, #tpu.memory_space<hbm>> -> memref<1x140x16xf32, #tpu.memory_space<hbm>>
      %dma_start3A_30 = tpu.memref_squeeze %dma_start3A_29 : memref<1x140x16xf32, #tpu.memory_space<hbm>> -> memref<140x16xf32, #tpu.memory_space<hbm>>
      %dma_start3A_31 = arith.constant 0 : i32
      %dma_start3A_32 = tpu.memref_slice %arg15[%mul3A_28, %dma_start3A_31] : memref<2304x16xf32, #tpu.memory_space<vmem_shared>> -> memref<140x16xf32, #tpu.memory_space<vmem_shared>>
      tpu.enqueue_dma source(%dma_start3A_32 : memref<140x16xf32, #tpu.memory_space<vmem_shared>>) target(%dma_start3A_30 : memref<140x16xf32, #tpu.memory_space<hbm>>) target_semaphore(%run_scoped3A : memref<!tpu.dma_semaphore, #tpu.memory_space<semaphore_mem>>)
      %dma_wait3A = arith.constant 0 : i32
      %dma_wait3A_33 = tpu.memref_slice %arg7[%arg0, %mul3A_28, %dma_wait3A] : memref<2x2240x16xf32, #tpu.memory_space<hbm>> -> memref<1x140x16xf32, #tpu.memory_space<hbm>>
      %dma_wait3A_34 = tpu.memref_squeeze %dma_wait3A_33 : memref<1x140x16xf32, #tpu.memory_space<hbm>> -> memref<140x16xf32, #tpu.memory_space<hbm>>
      %dma_wait3A_35 = arith.constant 0 : i32
      %dma_wait3A_36 = tpu.memref_slice %arg15[%mul3A_28, %dma_wait3A_35] : memref<2304x16xf32, #tpu.memory_space<vmem_shared>> -> memref<140x16xf32, #tpu.memory_space<vmem_shared>>
      tpu.wait_dma2 semaphore(%run_scoped3A : memref<!tpu.dma_semaphore, #tpu.memory_space<semaphore_mem>>) src(%dma_wait3A_36 : memref<140x16xf32, #tpu.memory_space<vmem_shared>>) dst(%dma_wait3A_34 : memref<140x16xf32, #tpu.memory_space<hbm>>)
      tpu.yield
    }) : () -> ()
    return
  }
}

module attributes {stable_mosaic.version = 14 : i64} {
  func.func @_node_tables_kernel(%arg0: memref<8000x3xf32, #tpu.memory_space<vmem>>, %arg1: memref<8000x27xf32, #tpu.memory_space<vmem>>, %arg2: memref<8000x1xi32, #tpu.memory_space<vmem>>, %arg3: memref<2000x3xf32, #tpu.memory_space<vmem>>, %arg4: memref<2000x1xi32, #tpu.memory_space<vmem>>, %arg5: memref<2000x1xi32, #tpu.memory_space<vmem>>, %arg6: memref<16x1xf32, #tpu.memory_space<vmem>>, %arg7: memref<27x127xf32, #tpu.memory_space<vmem>>, %arg8: memref<1x127xf32, #tpu.memory_space<vmem>>, %arg9: memref<14x127xf32, #tpu.memory_space<vmem>>, %arg10: memref<1x127xf32, #tpu.memory_space<vmem>>, %arg11: memref<128x128xf32, #tpu.memory_space<vmem>>, %arg12: memref<128x128xf32, #tpu.memory_space<vmem>>, %arg13: memref<1x128xf32, #tpu.memory_space<vmem>>, %arg14: memref<10240x128xf32, #tpu.memory_space<vmem>>, %arg15: memref<10240x128xf32, #tpu.memory_space<vmem>>, %arg16: memref<10240x16xf32, #tpu.memory_space<vmem>>, %arg17: memref<2000x128xf32, #tpu.memory_space<vmem>>) attributes {dimension_semantics = [], scalar_prefetch = 0 : i64, scratch_operands = 0 : i64, tpu.core_type = #tpu.core_type<tc>} {
    %get3A = arith.constant 0 : index
    %get3A_0 = arith.constant 0 : index
    %get3A_1 = vector.load %arg2[%get3A, %get3A_0] : memref<8000x1xi32, #tpu.memory_space<vmem>>, vector<8000x1xi32>
    %iota3A = tpu.iota {dimensions = array<i32: 1>} : vector<8000x16xi32>
    %eq3A = vector.broadcast %get3A_1 : vector<8000x1xi32> to vector<8000x16xi32>
    %eq3A_2 = arith.cmpi eq, %eq3A, %iota3A : vector<8000x16xi32>
    %convert_element_type3A = arith.extui %eq3A_2 : vector<8000x16xi1> to vector<8000x16xi32>
    %convert_element_type3A_3 = arith.sitofp %convert_element_type3A : vector<8000x16xi32> to vector<8000x16xf32>
    %get3A_4 = arith.constant 0 : index
    %get3A_5 = arith.constant 0 : index
    %get3A_6 = vector.load %arg0[%get3A_4, %get3A_5] : memref<8000x3xf32, #tpu.memory_space<vmem>>, vector<8000x3xf32>
    %dot_general3A = arith.constant dense<0.000000e+00> : vector<16x3xf32>
    %dot_general3A_7 = tpu.matmul %convert_element_type3A_3, %get3A_6, %dot_general3A {dimension_numbers = #tpu.dot_dimension_numbers<[0], [0], [1], [1], [0, 1, 1, 1], [], []>, transpose_lhs_hint = false} : vector<8000x16xf32>, vector<8000x3xf32>, vector<16x3xf32> -> vector<16x3xf32>
    %broadcast_in_dim3A = arith.constant 1.000000e+00 : f32
    %broadcast_in_dim3A_8 = vector.broadcast %broadcast_in_dim3A : f32 to vector<8000x1xf32>
    %dot_general3A_9 = arith.constant dense<0.000000e+00> : vector<16x1xf32>
    %dot_general3A_10 = tpu.matmul %convert_element_type3A_3, %broadcast_in_dim3A_8, %dot_general3A_9 {dimension_numbers = #tpu.dot_dimension_numbers<[0], [0], [1], [1], [0, 1, 1, 1], [], []>, transpose_lhs_hint = false} : vector<8000x16xf32>, vector<8000x1xf32>, vector<16x1xf32> -> vector<16x1xf32>
    %max3A = arith.constant 1.000000e+00 : f32
    %max3A_11 = vector.broadcast %max3A : f32 to vector<16x1xf32>
    %max3A_12 = arith.maximumf %dot_general3A_10, %max3A_11 : vector<16x1xf32>
    %div3A = vector.broadcast %max3A_12 : vector<16x1xf32> to vector<16x3xf32>
    %div3A_13 = arith.divf %dot_general3A_7, %div3A : vector<16x3xf32>
    %get3A_14 = arith.constant 0 : index
    %get3A_15 = arith.constant 0 : index
    %get3A_16 = vector.load %arg5[%get3A_14, %get3A_15] : memref<2000x1xi32, #tpu.memory_space<vmem>>, vector<2000x1xi32>
    %iota3A_17 = tpu.iota {dimensions = array<i32: 1>} : vector<2000x16xi32>
    %eq3A_18 = vector.broadcast %get3A_16 : vector<2000x1xi32> to vector<2000x16xi32>
    %eq3A_19 = arith.cmpi eq, %eq3A_18, %iota3A_17 : vector<2000x16xi32>
    %convert_element_type3A_20 = arith.extui %eq3A_19 : vector<2000x16xi1> to vector<2000x16xi32>
    %convert_element_type3A_21 = arith.sitofp %convert_element_type3A_20 : vector<2000x16xi32> to vector<2000x16xf32>
    %dot_general3A_22 = arith.constant dense<0.000000e+00> : vector<8000x3xf32>
    %dot_general3A_23 = tpu.matmul %convert_element_type3A_3, %div3A_13, %dot_general3A_22 {dimension_numbers = #tpu.dot_dimension_numbers<[1], [0], [0], [1], [0, 0, 1, 1], [], []>, transpose_lhs_hint = false} : vector<8000x16xf32>, vector<16x3xf32>, vector<8000x3xf32> -> vector<8000x3xf32>
    %sub3A = arith.subf %get3A_6, %dot_general3A_23 : vector<8000x3xf32>
    %get3A_24 = arith.constant 0 : index
    %get3A_25 = arith.constant 0 : index
    %get3A_26 = vector.load %arg3[%get3A_24, %get3A_25] : memref<2000x3xf32, #tpu.memory_space<vmem>>, vector<2000x3xf32>
    %dot_general3A_27 = arith.constant dense<0.000000e+00> : vector<2000x3xf32>
    %dot_general3A_28 = tpu.matmul %convert_element_type3A_21, %div3A_13, %dot_general3A_27 {dimension_numbers = #tpu.dot_dimension_numbers<[1], [0], [0], [1], [0, 0, 1, 1], [], []>, transpose_lhs_hint = false} : vector<2000x16xf32>, vector<16x3xf32>, vector<2000x3xf32> -> vector<2000x3xf32>
    %sub3A_29 = arith.subf %get3A_26, %dot_general3A_28 : vector<2000x3xf32>
    %get3A_30 = arith.constant 0 : index
    %get3A_31 = arith.constant 0 : index
    %get3A_32 = vector.load %arg1[%get3A_30, %get3A_31] : memref<8000x27xf32, #tpu.memory_space<vmem>>, vector<8000x27xf32>
    %get3A_33 = arith.constant 0 : index
    %get3A_34 = arith.constant 0 : index
    %get3A_35 = vector.load %arg7[%get3A_33, %get3A_34] : memref<27x127xf32, #tpu.memory_space<vmem>>, vector<27x127xf32>
    %dot_general3A_36 = arith.constant dense<0.000000e+00> : vector<8000x127xf32>
    %dot_general3A_37 = tpu.matmul %get3A_32, %get3A_35, %dot_general3A_36 {dimension_numbers = #tpu.dot_dimension_numbers<[1], [0], [0], [1], [0, 0, 1, 1], [], []>, transpose_lhs_hint = false} : vector<8000x27xf32>, vector<27x127xf32>, vector<8000x127xf32> -> vector<8000x127xf32>
    %get3A_38 = arith.constant 0 : index
    %get3A_39 = arith.constant 0 : index
    %get3A_40 = vector.load %arg8[%get3A_38, %get3A_39] : memref<1x127xf32, #tpu.memory_space<vmem>>, vector<1x127xf32>
    %add3A = vector.broadcast %get3A_40 : vector<1x127xf32> to vector<8000x127xf32>
    %add3A_41 = arith.addf %dot_general3A_37, %add3A : vector<8000x127xf32>
    %get3A_42 = arith.constant 0 : index
    %get3A_43 = arith.constant 0 : index
    %get3A_44 = vector.load %arg4[%get3A_42, %get3A_43] : memref<2000x1xi32, #tpu.memory_space<vmem>>, vector<2000x1xi32>
    %iota3A_45 = tpu.iota {dimensions = array<i32: 1>} : vector<2000x13xi32>
    %eq3A_46 = vector.broadcast %get3A_44 : vector<2000x1xi32> to vector<2000x13xi32>
    %eq3A_47 = arith.cmpi eq, %eq3A_46, %iota3A_45 : vector<2000x13xi32>
    %convert_element_type3A_48 = arith.extui %eq3A_47 : vector<2000x13xi1> to vector<2000x13xi32>
    %convert_element_type3A_49 = arith.sitofp %convert_element_type3A_48 : vector<2000x13xi32> to vector<2000x13xf32>
    %get3A_50 = arith.constant 0 : index
    %get3A_51 = arith.constant 0 : index
    %get3A_52 = vector.load %arg6[%get3A_50, %get3A_51] : memref<16x1xf32, #tpu.memory_space<vmem>>, vector<16x1xf32>
    %dot_general3A_53 = arith.constant dense<0.000000e+00> : vector<2000x1xf32>
    %dot_general3A_54 = tpu.matmul %convert_element_type3A_21, %get3A_52, %dot_general3A_53 {dimension_numbers = #tpu.dot_dimension_numbers<[1], [0], [0], [1], [0, 0, 1, 1], [], []>, transpose_lhs_hint = false} : vector<2000x16xf32>, vector<16x1xf32>, vector<2000x1xf32> -> vector<2000x1xf32>
    %concatenate3A = tpu.concatenate %convert_element_type3A_49, %dot_general3A_54 in 1 : vector<2000x13xf32>, vector<2000x1xf32> -> vector<2000x14xf32>
    %get3A_55 = arith.constant 0 : index
    %get3A_56 = arith.constant 0 : index
    %get3A_57 = vector.load %arg9[%get3A_55, %get3A_56] : memref<14x127xf32, #tpu.memory_space<vmem>>, vector<14x127xf32>
    %dot_general3A_58 = arith.constant dense<0.000000e+00> : vector<2000x127xf32>
    %dot_general3A_59 = tpu.matmul %concatenate3A, %get3A_57, %dot_general3A_58 {dimension_numbers = #tpu.dot_dimension_numbers<[1], [0], [0], [1], [0, 0, 1, 1], [], []>, transpose_lhs_hint = false} : vector<2000x14xf32>, vector<14x127xf32>, vector<2000x127xf32> -> vector<2000x127xf32>
    %get3A_60 = arith.constant 0 : index
    %get3A_61 = arith.constant 0 : index
    %get3A_62 = vector.load %arg10[%get3A_60, %get3A_61] : memref<1x127xf32, #tpu.memory_space<vmem>>, vector<1x127xf32>
    %add3A_63 = vector.broadcast %get3A_62 : vector<1x127xf32> to vector<2000x127xf32>
    %add3A_64 = arith.addf %dot_general3A_59, %add3A_63 : vector<2000x127xf32>
    %get3A_65 = arith.constant 0 : index
    %get3A_66 = arith.constant 0 : index
    %get3A_67 = vector.load %arg11[%get3A_65, %get3A_66] : memref<128x128xf32, #tpu.memory_space<vmem>>, vector<128x128xf32>
    %get3A_68 = arith.constant 0 : index
    %get3A_69 = arith.constant 0 : index
    %get3A_70 = vector.load %arg12[%get3A_68, %get3A_69] : memref<128x128xf32, #tpu.memory_space<vmem>>, vector<128x128xf32>
    %slice3A = vector.extract_strided_slice %get3A_67 {offsets = [0, 0], sizes = [127, 128], strides = [1, 1]} : vector<128x128xf32> to vector<127x128xf32>
    %dot_general3A_71 = arith.constant dense<0.000000e+00> : vector<8000x128xf32>
    %dot_general3A_72 = tpu.matmul %add3A_41, %slice3A, %dot_general3A_71 {dimension_numbers = #tpu.dot_dimension_numbers<[1], [0], [0], [1], [0, 0, 1, 1], [], []>, transpose_lhs_hint = false} : vector<8000x127xf32>, vector<127x128xf32>, vector<8000x128xf32> -> vector<8000x128xf32>
    %get3A_73 = arith.constant 0 : index
    %get3A_74 = arith.constant 0 : index
    %get3A_75 = vector.load %arg13[%get3A_73, %get3A_74] : memref<1x128xf32, #tpu.memory_space<vmem>>, vector<1x128xf32>
    %add3A_76 = vector.broadcast %get3A_75 : vector<1x128xf32> to vector<8000x128xf32>
    %add3A_77 = arith.addf %dot_general3A_72, %add3A_76 : vector<8000x128xf32>
    %slice3A_78 = vector.extract_strided_slice %get3A_70 {offsets = [0, 0], sizes = [127, 128], strides = [1, 1]} : vector<128x128xf32> to vector<127x128xf32>
    %dot_general3A_79 = arith.constant dense<0.000000e+00> : vector<8000x128xf32>
    %dot_general3A_80 = tpu.matmul %add3A_41, %slice3A_78, %dot_general3A_79 {dimension_numbers = #tpu.dot_dimension_numbers<[1], [0], [0], [1], [0, 0, 1, 1], [], []>, transpose_lhs_hint = false} : vector<8000x127xf32>, vector<127x128xf32>, vector<8000x128xf32> -> vector<8000x128xf32>
    %slice3A_81 = vector.extract_strided_slice %get3A_67 {offsets = [0, 0], sizes = [127, 128], strides = [1, 1]} : vector<128x128xf32> to vector<127x128xf32>
    %dot_general3A_82 = arith.constant dense<0.000000e+00> : vector<2000x128xf32>
    %dot_general3A_83 = tpu.matmul %add3A_64, %slice3A_81, %dot_general3A_82 {dimension_numbers = #tpu.dot_dimension_numbers<[1], [0], [0], [1], [0, 0, 1, 1], [], []>, transpose_lhs_hint = false} : vector<2000x127xf32>, vector<127x128xf32>, vector<2000x128xf32> -> vector<2000x128xf32>
    %slice3A_84 = vector.extract_strided_slice %get3A_67 {offsets = [127, 0], sizes = [1, 128], strides = [1, 1]} : vector<128x128xf32> to vector<1x128xf32>
    %add3A_85 = vector.broadcast %slice3A_84 : vector<1x128xf32> to vector<2000x128xf32>
    %add3A_86 = arith.addf %dot_general3A_83, %add3A_85 : vector<2000x128xf32>
    %get3A_87 = arith.constant 0 : index
    %get3A_88 = arith.constant 0 : index
    %get3A_89 = vector.load %arg13[%get3A_87, %get3A_88] : memref<1x128xf32, #tpu.memory_space<vmem>>, vector<1x128xf32>
    %add3A_90 = vector.broadcast %get3A_89 : vector<1x128xf32> to vector<2000x128xf32>
    %add3A_91 = arith.addf %add3A_86, %add3A_90 : vector<2000x128xf32>
    %slice3A_92 = vector.extract_strided_slice %get3A_70 {offsets = [0, 0], sizes = [127, 128], strides = [1, 1]} : vector<128x128xf32> to vector<127x128xf32>
    %dot_general3A_93 = arith.constant dense<0.000000e+00> : vector<2000x128xf32>
    %dot_general3A_94 = tpu.matmul %add3A_64, %slice3A_92, %dot_general3A_93 {dimension_numbers = #tpu.dot_dimension_numbers<[1], [0], [0], [1], [0, 0, 1, 1], [], []>, transpose_lhs_hint = false} : vector<2000x127xf32>, vector<127x128xf32>, vector<2000x128xf32> -> vector<2000x128xf32>
    %slice3A_95 = vector.extract_strided_slice %get3A_70 {offsets = [127, 0], sizes = [1, 128], strides = [1, 1]} : vector<128x128xf32> to vector<1x128xf32>
    %add3A_96 = vector.broadcast %slice3A_95 : vector<1x128xf32> to vector<2000x128xf32>
    %add3A_97 = arith.addf %dot_general3A_94, %add3A_96 : vector<2000x128xf32>
    %swap3A = arith.constant 0 : index
    %swap3A_98 = arith.constant 0 : index
    %swap3A_99 = vector.load %arg14[%swap3A, %swap3A_98] : memref<10240x128xf32, #tpu.memory_space<vmem>>, vector<8000x128xf32>
    tpu.vector_store %arg14[%swap3A, %swap3A_98], %add3A_77 {strides = array<i32>} : memref<10240x128xf32, #tpu.memory_space<vmem>>, vector<8000x128xf32>,
    %swap3A_100 = arith.constant 8000 : index
    %swap3A_101 = arith.constant 0 : index
    %swap3A_102 = vector.load %arg14[%swap3A_100, %swap3A_101] : memref<10240x128xf32, #tpu.memory_space<vmem>>, vector<2000x128xf32>
    tpu.vector_store %arg14[%swap3A_100, %swap3A_101], %add3A_91 {strides = array<i32>} : memref<10240x128xf32, #tpu.memory_space<vmem>>, vector<2000x128xf32>,
    %broadcast_in_dim3A_103 = arith.constant 0.000000e+00 : f32
    %broadcast_in_dim3A_104 = vector.broadcast %broadcast_in_dim3A_103 : f32 to vector<240x128xf32>
    %swap3A_105 = arith.constant 10000 : index
    %swap3A_106 = arith.constant 0 : index
    %swap3A_107 = vector.load %arg14[%swap3A_105, %swap3A_106] : memref<10240x128xf32, #tpu.memory_space<vmem>>, vector<240x128xf32>
    tpu.vector_store %arg14[%swap3A_105, %swap3A_106], %broadcast_in_dim3A_104 {strides = array<i32>} : memref<10240x128xf32, #tpu.memory_space<vmem>>, vector<240x128xf32>,
    %swap3A_108 = arith.constant 0 : index
    %swap3A_109 = arith.constant 0 : index
    %swap3A_110 = vector.load %arg15[%swap3A_108, %swap3A_109] : memref<10240x128xf32, #tpu.memory_space<vmem>>, vector<8000x128xf32>
    tpu.vector_store %arg15[%swap3A_108, %swap3A_109], %dot_general3A_80 {strides = array<i32>} : memref<10240x128xf32, #tpu.memory_space<vmem>>, vector<8000x128xf32>,
    %swap3A_111 = arith.constant 8000 : index
    %swap3A_112 = arith.constant 0 : index
    %swap3A_113 = vector.load %arg15[%swap3A_111, %swap3A_112] : memref<10240x128xf32, #tpu.memory_space<vmem>>, vector<2000x128xf32>
    tpu.vector_store %arg15[%swap3A_111, %swap3A_112], %add3A_97 {strides = array<i32>} : memref<10240x128xf32, #tpu.memory_space<vmem>>, vector<2000x128xf32>,
    %broadcast_in_dim3A_114 = arith.constant 0.000000e+00 : f32
    %broadcast_in_dim3A_115 = vector.broadcast %broadcast_in_dim3A_114 : f32 to vector<240x128xf32>
    %swap3A_116 = arith.constant 10000 : index
    %swap3A_117 = arith.constant 0 : index
    %swap3A_118 = vector.load %arg15[%swap3A_116, %swap3A_117] : memref<10240x128xf32, #tpu.memory_space<vmem>>, vector<240x128xf32>
    tpu.vector_store %arg15[%swap3A_116, %swap3A_117], %broadcast_in_dim3A_115 {strides = array<i32>} : memref<10240x128xf32, #tpu.memory_space<vmem>>, vector<240x128xf32>,
    %broadcast_in_dim3A_119 = arith.constant 0.000000e+00 : f32
    %broadcast_in_dim3A_120 = vector.broadcast %broadcast_in_dim3A_119 : f32 to vector<8000x13xf32>
    %concatenate3A_121 = tpu.concatenate %sub3A, %broadcast_in_dim3A_120 in 1 : vector<8000x3xf32>, vector<8000x13xf32> -> vector<8000x16xf32>
    %swap3A_122 = arith.constant 0 : index
    %swap3A_123 = arith.constant 0 : index
    %swap3A_124 = vector.load %arg16[%swap3A_122, %swap3A_123] : memref<10240x16xf32, #tpu.memory_space<vmem>>, vector<8000x16xf32>
    tpu.vector_store %arg16[%swap3A_122, %swap3A_123], %concatenate3A_121 {strides = array<i32>} : memref<10240x16xf32, #tpu.memory_space<vmem>>, vector<8000x16xf32>,
    %broadcast_in_dim3A_125 = arith.constant 0.000000e+00 : f32
    %broadcast_in_dim3A_126 = vector.broadcast %broadcast_in_dim3A_125 : f32 to vector<2000x13xf32>
    %concatenate3A_127 = tpu.concatenate %sub3A_29, %broadcast_in_dim3A_126 in 1 : vector<2000x3xf32>, vector<2000x13xf32> -> vector<2000x16xf32>
    %swap3A_128 = arith.constant 8000 : index
    %swap3A_129 = arith.constant 0 : index
    %swap3A_130 = vector.load %arg16[%swap3A_128, %swap3A_129] : memref<10240x16xf32, #tpu.memory_space<vmem>>, vector<2000x16xf32>
    tpu.vector_store %arg16[%swap3A_128, %swap3A_129], %concatenate3A_127 {strides = array<i32>} : memref<10240x16xf32, #tpu.memory_space<vmem>>, vector<2000x16xf32>,
    %broadcast_in_dim3A_131 = arith.constant 0.000000e+00 : f32
    %broadcast_in_dim3A_132 = vector.broadcast %broadcast_in_dim3A_131 : f32 to vector<240x16xf32>
    %swap3A_133 = arith.constant 10000 : index
    %swap3A_134 = arith.constant 0 : index
    %swap3A_135 = vector.load %arg16[%swap3A_133, %swap3A_134] : memref<10240x16xf32, #tpu.memory_space<vmem>>, vector<240x16xf32>
    tpu.vector_store %arg16[%swap3A_133, %swap3A_134], %broadcast_in_dim3A_132 {strides = array<i32>} : memref<10240x16xf32, #tpu.memory_space<vmem>>, vector<240x16xf32>,
    %broadcast_in_dim3A_136 = arith.constant 1.000000e+00 : f32
    %broadcast_in_dim3A_137 = vector.broadcast %broadcast_in_dim3A_136 : f32 to vector<2000x1xf32>
    %concatenate3A_138 = tpu.concatenate %add3A_64, %broadcast_in_dim3A_137 in 1 : vector<2000x127xf32>, vector<2000x1xf32> -> vector<2000x128xf32>
    %swap3A_139 = arith.constant 0 : index
    %swap3A_140 = arith.constant 0 : index
    %swap3A_141 = vector.load %arg17[%swap3A_139, %swap3A_140] : memref<2000x128xf32, #tpu.memory_space<vmem>>, vector<2000x128xf32>
    tpu.vector_store %arg17[%swap3A_139, %swap3A_140], %concatenate3A_138 {strides = array<i32>} : memref<2000x128xf32, #tpu.memory_space<vmem>>, vector<2000x128xf32>,
    return
  }
}

module attributes {stable_mosaic.version = 14 : i64} {
  func.func @_edge_mlp_kernel(%arg0: i32, %arg1: i32, %arg2: memref<32xi32, #tpu.memory_space<smem>>, %arg3: memref<512x128xf32, #tpu.memory_space<vmem>>, %arg4: memref<512x128xf32, #tpu.memory_space<vmem>>, %arg5: memref<512x16xf32, #tpu.memory_space<vmem>>, %arg6: memref<512x16xf32, #tpu.memory_space<vmem>>, %arg7: memref<1x128xf32, #tpu.memory_space<vmem>>, %arg8: memref<128x128xf32, #tpu.memory_space<vmem>>, %arg9: memref<1x128xf32, #tpu.memory_space<vmem>>, %arg10: memref<128x128xf32, #tpu.memory_space<vmem>>, %arg11: memref<1x128xf32, #tpu.memory_space<vmem>>, %arg12: memref<1x128xf32, #tpu.memory_space<vmem>>, %arg13: memref<1x1xf32, #tpu.memory_space<vmem>>, %arg14: memref<512x128xf32, #tpu.memory_space<vmem>>, %arg15: memref<512x16xf32, #tpu.memory_space<vmem>>) attributes {dimension_semantics = [#tpu.dimension_semantics<arbitrary>, #tpu.dimension_semantics<arbitrary>], iteration_bounds = array<i64: 32, 10>, scalar_prefetch = 1 : i64, scratch_operands = 0 : i64, tpu.core_type = #tpu.core_type<tc>, window_params = [{transform_indices = @transform_0, window_bounds = array<i64: 512, 128>}, {transform_indices = @transform_1, window_bounds = array<i64: 512, 128>}, {transform_indices = @transform_2, window_bounds = array<i64: 512, 16>}, {transform_indices = @transform_3, window_bounds = array<i64: 512, 16>}, {pipeline_mode = #tpu.pipeline_mode<synchronous>, transform_indices = @transform_4, window_bounds = array<i64: 1, 128>}, {pipeline_mode = #tpu.pipeline_mode<synchronous>, transform_indices = @transform_5, window_bounds = array<i64: 128, 128>}, {pipeline_mode = #tpu.pipeline_mode<synchronous>, transform_indices = @transform_6, window_bounds = array<i64: 1, 128>}, {pipeline_mode = #tpu.pipeline_mode<synchronous>, transform_indices = @transform_7, window_bounds = array<i64: 128, 128>}, {pipeline_mode = #tpu.pipeline_mode<synchronous>, transform_indices = @transform_8, window_bounds = array<i64: 1, 128>}, {pipeline_mode = #tpu.pipeline_mode<synchronous>, transform_indices = @transform_9, window_bounds = array<i64: 1, 128>}, {pipeline_mode = #tpu.pipeline_mode<synchronous>, transform_indices = @transform_10, window_bounds = array<i64: 1, 1>}, {transform_indices = @transform_11, window_bounds = array<i64: 512, 128>}, {transform_indices = @transform_12, window_bounds = array<i64: 512, 16>}]} {
    %mul3A = arith.constant 512 : i32
    %mul3A_0 = arith.muli %arg1, %mul3A : i32
    %get3A = arith.index_cast %arg0 : i32 to index
    %get3A_1 = memref.load %arg2[%get3A] : memref<32xi32, #tpu.memory_space<smem>>
    %lt3A = arith.cmpi slt, %mul3A_0, %get3A_1 : i32
    %convert_element_type3A = arith.extui %lt3A : i1 to i32
    %cond3A = arith.constant 0 : i32
    %cond3A_2 = arith.cmpi ne, %convert_element_type3A, %cond3A : i32
    scf.if %cond3A_2 {
      %get3A_3 = arith.constant 0 : index
      %get3A_4 = arith.constant 0 : index
      %get3A_5 = vector.load %arg3[%get3A_3, %get3A_4] : memref<512x128xf32, #tpu.memory_space<vmem>>, vector<512x128xf32>
      %get3A_6 = arith.constant 0 : index
      %get3A_7 = arith.constant 0 : index
      %get3A_8 = vector.load %arg4[%get3A_6, %get3A_7] : memref<512x128xf32, #tpu.memory_space<vmem>>, vector<512x128xf32>
      %add3A = arith.addf %get3A_5, %get3A_8 : vector<512x128xf32>
      %get3A_9 = arith.constant 0 : index
      %get3A_10 = arith.constant 0 : index
      %get3A_11 = vector.load %arg6[%get3A_9, %get3A_10] : memref<512x16xf32, #tpu.memory_space<vmem>>, vector<512x16xf32>
      %get3A_12 = arith.constant 0 : index
      %get3A_13 = arith.constant 0 : index
      %get3A_14 = vector.load %arg5[%get3A_12, %get3A_13] : memref<512x16xf32, #tpu.memory_space<vmem>>, vector<512x16xf32>
      %sub3A = arith.subf %get3A_11, %get3A_14 : vector<512x16xf32>
      %mul3A_15 = arith.mulf %sub3A, %sub3A : vector<512x16xf32>
      %reduce_sum3A = arith.constant dense<0.000000e+00> : vector<512xf32>
      %reduce_sum3A_16 = vector.multi_reduction <add>, %mul3A_15, %reduce_sum3A [1] : vector<512x16xf32> to vector<512xf32>
      %broadcast_in_dim3A = vector.shape_cast %reduce_sum3A_16 : vector<512xf32> to vector<512x1xf32>
      %get3A_17 = arith.constant 0 : index
      %get3A_18 = arith.constant 0 : index
      %get3A_19 = vector.load %arg7[%get3A_17, %get3A_18] : memref<1x128xf32, #tpu.memory_space<vmem>>, vector<1x128xf32>
      %mul3A_20 = vector.broadcast %broadcast_in_dim3A : vector<512x1xf32> to vector<512x128xf32>
      %mul3A_21 = vector.broadcast %get3A_19 : vector<1x128xf32> to vector<512x128xf32>
      %mul3A_22 = arith.mulf %mul3A_20, %mul3A_21 : vector<512x128xf32>
      %add3A_23 = arith.addf %add3A, %mul3A_22 : vector<512x128xf32>
      %logistic3A = arith.negf %add3A_23 : vector<512x128xf32>
      %logistic3A_24 = math.exp %logistic3A : vector<512x128xf32>
      %logistic3A_25 = arith.constant 1.000000e+00 : f32
      %logistic3A_26 = vector.broadcast %logistic3A_25 : f32 to vector<512x128xf32>
      %logistic3A_27 = arith.addf %logistic3A_26, %logistic3A_24 : vector<512x128xf32>
      %logistic3A_28 = arith.divf %logistic3A_26, %logistic3A_27 : vector<512x128xf32>
      %mul3A_29 = arith.mulf %add3A_23, %logistic3A_28 : vector<512x128xf32>
      %get3A_30 = arith.constant 0 : index
      %get3A_31 = arith.constant 0 : index
      %get3A_32 = vector.load %arg8[%get3A_30, %get3A_31] : memref<128x128xf32, #tpu.memory_space<vmem>>, vector<128x128xf32>
      %dot_general3A = arith.constant dense<0.000000e+00> : vector<512x128xf32>
      %dot_general3A_33 = tpu.matmul %mul3A_29, %get3A_32, %dot_general3A {dimension_numbers = #tpu.dot_dimension_numbers<[1], [0], [0], [1], [0, 0, 1, 1], [], []>, transpose_lhs_hint = false} : vector<512x128xf32>, vector<128x128xf32>, vector<512x128xf32> -> vector<512x128xf32>
      %get3A_34 = arith.constant 0 : index
      %get3A_35 = arith.constant 0 : index
      %get3A_36 = vector.load %arg9[%get3A_34, %get3A_35] : memref<1x128xf32, #tpu.memory_space<vmem>>, vector<1x128xf32>
      %add3A_37 = vector.broadcast %get3A_36 : vector<1x128xf32> to vector<512x128xf32>
      %add3A_38 = arith.addf %dot_general3A_33, %add3A_37 : vector<512x128xf32>
      %logistic3A_39 = arith.negf %add3A_38 : vector<512x128xf32>
      %logistic3A_40 = math.exp %logistic3A_39 : vector<512x128xf32>
      %logistic3A_41 = arith.constant 1.000000e+00 : f32
      %logistic3A_42 = vector.broadcast %logistic3A_41 : f32 to vector<512x128xf32>
      %logistic3A_43 = arith.addf %logistic3A_42, %logistic3A_40 : vector<512x128xf32>
      %logistic3A_44 = arith.divf %logistic3A_42, %logistic3A_43 : vector<512x128xf32>
      %mul3A_45 = arith.mulf %add3A_38, %logistic3A_44 : vector<512x128xf32>
      %get3A_46 = arith.constant 0 : index
      %get3A_47 = arith.constant 0 : index
      %get3A_48 = vector.load %arg10[%get3A_46, %get3A_47] : memref<128x128xf32, #tpu.memory_space<vmem>>, vector<128x128xf32>
      %dot_general3A_49 = arith.constant dense<0.000000e+00> : vector<512x128xf32>
      %dot_general3A_50 = tpu.matmul %mul3A_45, %get3A_48, %dot_general3A_49 {dimension_numbers = #tpu.dot_dimension_numbers<[1], [0], [0], [1], [0, 0, 1, 1], [], []>, transpose_lhs_hint = false} : vector<512x128xf32>, vector<128x128xf32>, vector<512x128xf32> -> vector<512x128xf32>
      %get3A_51 = arith.constant 0 : index
      %get3A_52 = arith.constant 0 : index
      %get3A_53 = vector.load %arg11[%get3A_51, %get3A_52] : memref<1x128xf32, #tpu.memory_space<vmem>>, vector<1x128xf32>
      %add3A_54 = vector.broadcast %get3A_53 : vector<1x128xf32> to vector<512x128xf32>
      %add3A_55 = arith.addf %dot_general3A_50, %add3A_54 : vector<512x128xf32>
      %logistic3A_56 = arith.negf %add3A_55 : vector<512x128xf32>
      %logistic3A_57 = math.exp %logistic3A_56 : vector<512x128xf32>
      %logistic3A_58 = arith.constant 1.000000e+00 : f32
      %logistic3A_59 = vector.broadcast %logistic3A_58 : f32 to vector<512x128xf32>
      %logistic3A_60 = arith.addf %logistic3A_59, %logistic3A_57 : vector<512x128xf32>
      %logistic3A_61 = arith.divf %logistic3A_59, %logistic3A_60 : vector<512x128xf32>
      %mul3A_62 = arith.mulf %add3A_55, %logistic3A_61 : vector<512x128xf32>
      %get3A_63 = arith.constant 0 : index
      %get3A_64 = arith.constant 0 : index
      %get3A_65 = vector.load %arg12[%get3A_63, %get3A_64] : memref<1x128xf32, #tpu.memory_space<vmem>>, vector<1x128xf32>
      %mul3A_66 = vector.broadcast %get3A_65 : vector<1x128xf32> to vector<512x128xf32>
      %mul3A_67 = arith.mulf %mul3A_62, %mul3A_66 : vector<512x128xf32>
      %reduce_sum3A_68 = arith.constant dense<0.000000e+00> : vector<512xf32>
      %reduce_sum3A_69 = vector.multi_reduction <add>, %mul3A_67, %reduce_sum3A_68 [1] : vector<512x128xf32> to vector<512xf32>
      %broadcast_in_dim3A_70 = vector.shape_cast %reduce_sum3A_69 : vector<512xf32> to vector<512x1xf32>
      %get3A_71 = arith.constant 0 : index
      %get3A_72 = arith.constant 0 : index
      %get3A_73 = vector.load %arg13[%get3A_71, %get3A_72] : memref<1x1xf32, #tpu.memory_space<vmem>>, vector<1x1xf32>
      %get3A_74 = vector.extract %get3A_73[0, 0] : f32 from vector<1x1xf32>
      %add3A_75 = vector.broadcast %get3A_74 : f32 to vector<512x1xf32>
      %add3A_76 = arith.addf %broadcast_in_dim3A_70, %add3A_75 : vector<512x1xf32>
      %swap3A = arith.constant 0 : index
      %swap3A_77 = arith.constant 0 : index
      %swap3A_78 = vector.load %arg14[%swap3A, %swap3A_77] : memref<512x128xf32, #tpu.memory_space<vmem>>, vector<512x128xf32>
      tpu.vector_store %arg14[%swap3A, %swap3A_77], %mul3A_45 {strides = array<i32>} : memref<512x128xf32, #tpu.memory_space<vmem>>, vector<512x128xf32>,
      %tanh3A = math.tanh %add3A_76 : vector<512x1xf32>
      %mul3A_79 = vector.broadcast %tanh3A : vector<512x1xf32> to vector<512x16xf32>
      %mul3A_80 = arith.mulf %sub3A, %mul3A_79 : vector<512x16xf32>
      %swap3A_81 = arith.constant 0 : index
      %swap3A_82 = arith.constant 0 : index
      %swap3A_83 = vector.load %arg15[%swap3A_81, %swap3A_82] : memref<512x16xf32, #tpu.memory_space<vmem>>, vector<512x16xf32>
      tpu.vector_store %arg15[%swap3A_81, %swap3A_82], %mul3A_80 {strides = array<i32>} : memref<512x16xf32, #tpu.memory_space<vmem>>, vector<512x16xf32>,
    } else {
    }
    return
  }
  func.func @transform_0(%arg0: i32, %arg1: i32, %arg2: memref<32xi32, #tpu.memory_space<smem>>) -> (i32, i32) {
    %get3A = arith.index_cast %arg0 : i32 to index
    %get3A_0 = memref.load %arg2[%get3A] : memref<32xi32, #tpu.memory_space<smem>>
    %add3A = arith.constant 512 : i32
    %add3A_1 = arith.addi %get3A_0, %add3A : i32
    %sub3A = arith.constant 1 : i32
    %sub3A_2 = arith.subi %add3A_1, %sub3A : i32
    %jit3A = arith.constant 512 : i32
    %div3A = arith.divsi %sub3A_2, %jit3A : i32
    %sign3A = arith.constant 0 : i32
    %sign3A_3 = arith.cmpi sgt, %sub3A_2, %sign3A : i32
    %sign3A_4 = arith.extui %sign3A_3 : i1 to i32
    %sign3A_5 = arith.constant 0 : i32
    %sign3A_6 = arith.cmpi slt, %sub3A_2, %sign3A_5 : i32
    %sign3A_7 = arith.extui %sign3A_6 : i1 to i32
    %sign3A_8 = arith.subi %sign3A_4, %sign3A_7 : i32
    %sign3A_9 = arith.constant 0 : i32
    %sign3A_10 = arith.cmpi sgt, %jit3A, %sign3A_9 : i32
    %sign3A_11 = arith.extui %sign3A_10 : i1 to i32
    %sign3A_12 = arith.constant 0 : i32
    %sign3A_13 = arith.cmpi slt, %jit3A, %sign3A_12 : i32
    %sign3A_14 = arith.extui %sign3A_13 : i1 to i32
    %sign3A_15 = arith.subi %sign3A_11, %sign3A_14 : i32
    %ne3A = arith.cmpi ne, %sign3A_8, %sign3A_15 : i32
    %rem3A = arith.remsi %sub3A_2, %jit3A : i32
    %ne3A_16 = arith.constant 0 : i32
    %ne3A_17 = arith.cmpi ne, %rem3A, %ne3A_16 : i32
    %and3A = arith.andi %ne3A, %ne3A_17 : i1
    %sub3A_18 = arith.constant 1 : i32
    %sub3A_19 = arith.subi %div3A, %sub3A_18 : i32
    %select_n3A = arith.select %and3A, %sub3A_19, %div3A : i32
    %sub3A_20 = arith.constant 1 : i32
    %sub3A_21 = arith.subi %select_n3A, %sub3A_20 : i32
    %max3A = arith.constant 0 : i32
    %max3A_22 = arith.maxsi %sub3A_21, %max3A : i32
    %mul3A = arith.constant 10 : i32
    %mul3A_23 = arith.muli %arg0, %mul3A : i32
    %min3A = arith.minsi %arg1, %max3A_22 : i32
    %add3A_24 = arith.addi %mul3A_23, %min3A : i32
    %c0_i32 = arith.constant 0 : i32
    %c0_i32_25 = arith.constant 0 : i32
    return %add3A_24, %c0_i32 : i32, i32
  }
  func.func @transform_1(%arg0: i32, %arg1: i32, %arg2: memref<32xi32, #tpu.memory_space<smem>>) -> (i32, i32) {
    %get3A = arith.index_cast %arg0 : i32 to index
    %get3A_0 = memref.load %arg2[%get3A] : memref<32xi32, #tpu.memory_space<smem>>
    %add3A = arith.constant 512 : i32
    %add3A_1 = arith.addi %get3A_0, %add3A : i32
    %sub3A = arith.constant 1 : i32
    %sub3A_2 = arith.subi %add3A_1, %sub3A : i32
    %jit3A = arith.constant 512 : i32
    %div3A = arith.divsi %sub3A_2, %jit3A : i32
    %sign3A = arith.constant 0 : i32
    %sign3A_3 = arith.cmpi sgt, %sub3A_2, %sign3A : i32
    %sign3A_4 = arith.extui %sign3A_3 : i1 to i32
    %sign3A_5 = arith.constant 0 : i32
    %sign3A_6 = arith.cmpi slt, %sub3A_2, %sign3A_5 : i32
    %sign3A_7 = arith.extui %sign3A_6 : i1 to i32
    %sign3A_8 = arith.subi %sign3A_4, %sign3A_7 : i32
    %sign3A_9 = arith.constant 0 : i32
    %sign3A_10 = arith.cmpi sgt, %jit3A, %sign3A_9 : i32
    %sign3A_11 = arith.extui %sign3A_10 : i1 to i32
    %sign3A_12 = arith.constant 0 : i32
    %sign3A_13 = arith.cmpi slt, %jit3A, %sign3A_12 : i32
    %sign3A_14 = arith.extui %sign3A_13 : i1 to i32
    %sign3A_15 = arith.subi %sign3A_11, %sign3A_14 : i32
    %ne3A = arith.cmpi ne, %sign3A_8, %sign3A_15 : i32
    %rem3A = arith.remsi %sub3A_2, %jit3A : i32
    %ne3A_16 = arith.constant 0 : i32
    %ne3A_17 = arith.cmpi ne, %rem3A, %ne3A_16 : i32
    %and3A = arith.andi %ne3A, %ne3A_17 : i1
    %sub3A_18 = arith.constant 1 : i32
    %sub3A_19 = arith.subi %div3A, %sub3A_18 : i32
    %select_n3A = arith.select %and3A, %sub3A_19, %div3A : i32
    %sub3A_20 = arith.constant 1 : i32
    %sub3A_21 = arith.subi %select_n3A, %sub3A_20 : i32
    %max3A = arith.constant 0 : i32
    %max3A_22 = arith.maxsi %sub3A_21, %max3A : i32
    %mul3A = arith.constant 10 : i32
    %mul3A_23 = arith.muli %arg0, %mul3A : i32
    %min3A = arith.minsi %arg1, %max3A_22 : i32
    %add3A_24 = arith.addi %mul3A_23, %min3A : i32
    %c0_i32 = arith.constant 0 : i32
    %c0_i32_25 = arith.constant 0 : i32
    return %add3A_24, %c0_i32 : i32, i32
  }
  func.func @transform_2(%arg0: i32, %arg1: i32, %arg2: memref<32xi32, #tpu.memory_space<smem>>) -> (i32, i32) {
    %get3A = arith.index_cast %arg0 : i32 to index
    %get3A_0 = memref.load %arg2[%get3A] : memref<32xi32, #tpu.memory_space<smem>>
    %add3A = arith.constant 512 : i32
    %add3A_1 = arith.addi %get3A_0, %add3A : i32
    %sub3A = arith.constant 1 : i32
    %sub3A_2 = arith.subi %add3A_1, %sub3A : i32
    %jit3A = arith.constant 512 : i32
    %div3A = arith.divsi %sub3A_2, %jit3A : i32
    %sign3A = arith.constant 0 : i32
    %sign3A_3 = arith.cmpi sgt, %sub3A_2, %sign3A : i32
    %sign3A_4 = arith.extui %sign3A_3 : i1 to i32
    %sign3A_5 = arith.constant 0 : i32
    %sign3A_6 = arith.cmpi slt, %sub3A_2, %sign3A_5 : i32
    %sign3A_7 = arith.extui %sign3A_6 : i1 to i32
    %sign3A_8 = arith.subi %sign3A_4, %sign3A_7 : i32
    %sign3A_9 = arith.constant 0 : i32
    %sign3A_10 = arith.cmpi sgt, %jit3A, %sign3A_9 : i32
    %sign3A_11 = arith.extui %sign3A_10 : i1 to i32
    %sign3A_12 = arith.constant 0 : i32
    %sign3A_13 = arith.cmpi slt, %jit3A, %sign3A_12 : i32
    %sign3A_14 = arith.extui %sign3A_13 : i1 to i32
    %sign3A_15 = arith.subi %sign3A_11, %sign3A_14 : i32
    %ne3A = arith.cmpi ne, %sign3A_8, %sign3A_15 : i32
    %rem3A = arith.remsi %sub3A_2, %jit3A : i32
    %ne3A_16 = arith.constant 0 : i32
    %ne3A_17 = arith.cmpi ne, %rem3A, %ne3A_16 : i32
    %and3A = arith.andi %ne3A, %ne3A_17 : i1
    %sub3A_18 = arith.constant 1 : i32
    %sub3A_19 = arith.subi %div3A, %sub3A_18 : i32
    %select_n3A = arith.select %and3A, %sub3A_19, %div3A : i32
    %sub3A_20 = arith.constant 1 : i32
    %sub3A_21 = arith.subi %select_n3A, %sub3A_20 : i32
    %max3A = arith.constant 0 : i32
    %max3A_22 = arith.maxsi %sub3A_21, %max3A : i32
    %mul3A = arith.constant 10 : i32
    %mul3A_23 = arith.muli %arg0, %mul3A : i32
    %min3A = arith.minsi %arg1, %max3A_22 : i32
    %add3A_24 = arith.addi %mul3A_23, %min3A : i32
    %c0_i32 = arith.constant 0 : i32
    %c0_i32_25 = arith.constant 0 : i32
    return %add3A_24, %c0_i32 : i32, i32
  }
  func.func @transform_3(%arg0: i32, %arg1: i32, %arg2: memref<32xi32, #tpu.memory_space<smem>>) -> (i32, i32) {
    %get3A = arith.index_cast %arg0 : i32 to index
    %get3A_0 = memref.load %arg2[%get3A] : memref<32xi32, #tpu.memory_space<smem>>
    %add3A = arith.constant 512 : i32
    %add3A_1 = arith.addi %get3A_0, %add3A : i32
    %sub3A = arith.constant 1 : i32
    %sub3A_2 = arith.subi %add3A_1, %sub3A : i32
    %jit3A = arith.constant 512 : i32
    %div3A = arith.divsi %sub3A_2, %jit3A : i32
    %sign3A = arith.constant 0 : i32
    %sign3A_3 = arith.cmpi sgt, %sub3A_2, %sign3A : i32
    %sign3A_4 = arith.extui %sign3A_3 : i1 to i32
    %sign3A_5 = arith.constant 0 : i32
    %sign3A_6 = arith.cmpi slt, %sub3A_2, %sign3A_5 : i32
    %sign3A_7 = arith.extui %sign3A_6 : i1 to i32
    %sign3A_8 = arith.subi %sign3A_4, %sign3A_7 : i32
    %sign3A_9 = arith.constant 0 : i32
    %sign3A_10 = arith.cmpi sgt, %jit3A, %sign3A_9 : i32
    %sign3A_11 = arith.extui %sign3A_10 : i1 to i32
    %sign3A_12 = arith.constant 0 : i32
    %sign3A_13 = arith.cmpi slt, %jit3A, %sign3A_12 : i32
    %sign3A_14 = arith.extui %sign3A_13 : i1 to i32
    %sign3A_15 = arith.subi %sign3A_11, %sign3A_14 : i32
    %ne3A = arith.cmpi ne, %sign3A_8, %sign3A_15 : i32
    %rem3A = arith.remsi %sub3A_2, %jit3A : i32
    %ne3A_16 = arith.constant 0 : i32
    %ne3A_17 = arith.cmpi ne, %rem3A, %ne3A_16 : i32
    %and3A = arith.andi %ne3A, %ne3A_17 : i1
    %sub3A_18 = arith.constant 1 : i32
    %sub3A_19 = arith.subi %div3A, %sub3A_18 : i32
    %select_n3A = arith.select %and3A, %sub3A_19, %div3A : i32
    %sub3A_20 = arith.constant 1 : i32
    %sub3A_21 = arith.subi %select_n3A, %sub3A_20 : i32
    %max3A = arith.constant 0 : i32
    %max3A_22 = arith.maxsi %sub3A_21, %max3A : i32
    %mul3A = arith.constant 10 : i32
    %mul3A_23 = arith.muli %arg0, %mul3A : i32
    %min3A = arith.minsi %arg1, %max3A_22 : i32
    %add3A_24 = arith.addi %mul3A_23, %min3A : i32
    %c0_i32 = arith.constant 0 : i32
    %c0_i32_25 = arith.constant 0 : i32
    return %add3A_24, %c0_i32 : i32, i32
  }
  func.func @transform_4(%arg0: i32, %arg1: i32, %arg2: memref<32xi32, #tpu.memory_space<smem>>) -> (i32, i32) {
    %c0_i32 = arith.constant 0 : i32
    %c0_i32_0 = arith.constant 0 : i32
    %c0_i32_1 = arith.constant 0 : i32
    return %c0_i32, %c0_i32_0 : i32, i32
  }
  func.func @transform_5(%arg0: i32, %arg1: i32, %arg2: memref<32xi32, #tpu.memory_space<smem>>) -> (i32, i32) {
    %c0_i32 = arith.constant 0 : i32
    %c0_i32_0 = arith.constant 0 : i32
    %c0_i32_1 = arith.constant 0 : i32
    return %c0_i32, %c0_i32_0 : i32, i32
  }
  func.func @transform_6(%arg0: i32, %arg1: i32, %arg2: memref<32xi32, #tpu.memory_space<smem>>) -> (i32, i32) {
    %c0_i32 = arith.constant 0 : i32
    %c0_i32_0 = arith.constant 0 : i32
    %c0_i32_1 = arith.constant 0 : i32
    return %c0_i32, %c0_i32_0 : i32, i32
  }
  func.func @transform_7(%arg0: i32, %arg1: i32, %arg2: memref<32xi32, #tpu.memory_space<smem>>) -> (i32, i32) {
    %c0_i32 = arith.constant 0 : i32
    %c0_i32_0 = arith.constant 0 : i32
    %c0_i32_1 = arith.constant 0 : i32
    return %c0_i32, %c0_i32_0 : i32, i32
  }
  func.func @transform_8(%arg0: i32, %arg1: i32, %arg2: memref<32xi32, #tpu.memory_space<smem>>) -> (i32, i32) {
    %c0_i32 = arith.constant 0 : i32
    %c0_i32_0 = arith.constant 0 : i32
    %c0_i32_1 = arith.constant 0 : i32
    return %c0_i32, %c0_i32_0 : i32, i32
  }
  func.func @transform_9(%arg0: i32, %arg1: i32, %arg2: memref<32xi32, #tpu.memory_space<smem>>) -> (i32, i32) {
    %c0_i32 = arith.constant 0 : i32
    %c0_i32_0 = arith.constant 0 : i32
    %c0_i32_1 = arith.constant 0 : i32
    return %c0_i32, %c0_i32_0 : i32, i32
  }
  func.func @transform_10(%arg0: i32, %arg1: i32, %arg2: memref<32xi32, #tpu.memory_space<smem>>) -> (i32, i32) {
    %c0_i32 = arith.constant 0 : i32
    %c0_i32_0 = arith.constant 0 : i32
    %c0_i32_1 = arith.constant 0 : i32
    return %c0_i32, %c0_i32_0 : i32, i32
  }
  func.func @transform_11(%arg0: i32, %arg1: i32, %arg2: memref<32xi32, #tpu.memory_space<smem>>) -> (i32, i32) {
    %get3A = arith.index_cast %arg0 : i32 to index
    %get3A_0 = memref.load %arg2[%get3A] : memref<32xi32, #tpu.memory_space<smem>>
    %add3A = arith.constant 512 : i32
    %add3A_1 = arith.addi %get3A_0, %add3A : i32
    %sub3A = arith.constant 1 : i32
    %sub3A_2 = arith.subi %add3A_1, %sub3A : i32
    %jit3A = arith.constant 512 : i32
    %div3A = arith.divsi %sub3A_2, %jit3A : i32
    %sign3A = arith.constant 0 : i32
    %sign3A_3 = arith.cmpi sgt, %sub3A_2, %sign3A : i32
    %sign3A_4 = arith.extui %sign3A_3 : i1 to i32
    %sign3A_5 = arith.constant 0 : i32
    %sign3A_6 = arith.cmpi slt, %sub3A_2, %sign3A_5 : i32
    %sign3A_7 = arith.extui %sign3A_6 : i1 to i32
    %sign3A_8 = arith.subi %sign3A_4, %sign3A_7 : i32
    %sign3A_9 = arith.constant 0 : i32
    %sign3A_10 = arith.cmpi sgt, %jit3A, %sign3A_9 : i32
    %sign3A_11 = arith.extui %sign3A_10 : i1 to i32
    %sign3A_12 = arith.constant 0 : i32
    %sign3A_13 = arith.cmpi slt, %jit3A, %sign3A_12 : i32
    %sign3A_14 = arith.extui %sign3A_13 : i1 to i32
    %sign3A_15 = arith.subi %sign3A_11, %sign3A_14 : i32
    %ne3A = arith.cmpi ne, %sign3A_8, %sign3A_15 : i32
    %rem3A = arith.remsi %sub3A_2, %jit3A : i32
    %ne3A_16 = arith.constant 0 : i32
    %ne3A_17 = arith.cmpi ne, %rem3A, %ne3A_16 : i32
    %and3A = arith.andi %ne3A, %ne3A_17 : i1
    %sub3A_18 = arith.constant 1 : i32
    %sub3A_19 = arith.subi %div3A, %sub3A_18 : i32
    %select_n3A = arith.select %and3A, %sub3A_19, %div3A : i32
    %sub3A_20 = arith.constant 1 : i32
    %sub3A_21 = arith.subi %select_n3A, %sub3A_20 : i32
    %max3A = arith.constant 0 : i32
    %max3A_22 = arith.maxsi %sub3A_21, %max3A : i32
    %mul3A = arith.constant 10 : i32
    %mul3A_23 = arith.muli %arg0, %mul3A : i32
    %min3A = arith.minsi %arg1, %max3A_22 : i32
    %add3A_24 = arith.addi %mul3A_23, %min3A : i32
    %c0_i32 = arith.constant 0 : i32
    %c0_i32_25 = arith.constant 0 : i32
    return %add3A_24, %c0_i32 : i32, i32
  }
  func.func @transform_12(%arg0: i32, %arg1: i32, %arg2: memref<32xi32, #tpu.memory_space<smem>>) -> (i32, i32) {
    %get3A = arith.index_cast %arg0 : i32 to index
    %get3A_0 = memref.load %arg2[%get3A] : memref<32xi32, #tpu.memory_space<smem>>
    %add3A = arith.constant 512 : i32
    %add3A_1 = arith.addi %get3A_0, %add3A : i32
    %sub3A = arith.constant 1 : i32
    %sub3A_2 = arith.subi %add3A_1, %sub3A : i32
    %jit3A = arith.constant 512 : i32
    %div3A = arith.divsi %sub3A_2, %jit3A : i32
    %sign3A = arith.constant 0 : i32
    %sign3A_3 = arith.cmpi sgt, %sub3A_2, %sign3A : i32
    %sign3A_4 = arith.extui %sign3A_3 : i1 to i32
    %sign3A_5 = arith.constant 0 : i32
    %sign3A_6 = arith.cmpi slt, %sub3A_2, %sign3A_5 : i32
    %sign3A_7 = arith.extui %sign3A_6 : i1 to i32
    %sign3A_8 = arith.subi %sign3A_4, %sign3A_7 : i32
    %sign3A_9 = arith.constant 0 : i32
    %sign3A_10 = arith.cmpi sgt, %jit3A, %sign3A_9 : i32
    %sign3A_11 = arith.extui %sign3A_10 : i1 to i32
    %sign3A_12 = arith.constant 0 : i32
    %sign3A_13 = arith.cmpi slt, %jit3A, %sign3A_12 : i32
    %sign3A_14 = arith.extui %sign3A_13 : i1 to i32
    %sign3A_15 = arith.subi %sign3A_11, %sign3A_14 : i32
    %ne3A = arith.cmpi ne, %sign3A_8, %sign3A_15 : i32
    %rem3A = arith.remsi %sub3A_2, %jit3A : i32
    %ne3A_16 = arith.constant 0 : i32
    %ne3A_17 = arith.cmpi ne, %rem3A, %ne3A_16 : i32
    %and3A = arith.andi %ne3A, %ne3A_17 : i1
    %sub3A_18 = arith.constant 1 : i32
    %sub3A_19 = arith.subi %div3A, %sub3A_18 : i32
    %select_n3A = arith.select %and3A, %sub3A_19, %div3A : i32
    %sub3A_20 = arith.constant 1 : i32
    %sub3A_21 = arith.subi %select_n3A, %sub3A_20 : i32
    %max3A = arith.constant 0 : i32
    %max3A_22 = arith.maxsi %sub3A_21, %max3A : i32
    %mul3A = arith.constant 10 : i32
    %mul3A_23 = arith.muli %arg0, %mul3A : i32
    %min3A = arith.minsi %arg1, %max3A_22 : i32
    %add3A_24 = arith.addi %mul3A_23, %min3A : i32
    %c0_i32 = arith.constant 0 : i32
    %c0_i32_25 = arith.constant 0 : i32
    return %add3A_24, %c0_i32 : i32, i32
  }
}

module attributes {stable_mosaic.version = 14 : i64} {
  func.func @_final_kernel(%arg0: memref<2000x128xf32, #tpu.memory_space<vmem>>, %arg1: memref<10240x16xf32, #tpu.memory_space<vmem>>, %arg2: memref<2x2240x128xf32, #tpu.memory_space<vmem>>, %arg3: memref<2x2240x16xf32, #tpu.memory_space<vmem>>, %arg4: memref<256x128xf32, #tpu.memory_space<vmem>>, %arg5: memref<1x128xf32, #tpu.memory_space<vmem>>, %arg6: memref<128x128xf32, #tpu.memory_space<vmem>>, %arg7: memref<1x128xf32, #tpu.memory_space<vmem>>, %arg8: memref<128x16xf32, #tpu.memory_space<vmem>>, %arg9: memref<1x16xf32, #tpu.memory_space<vmem>>, %arg10: memref<2000x16xf32, #tpu.memory_space<vmem>>) attributes {dimension_semantics = [], scalar_prefetch = 0 : i64, scratch_operands = 0 : i64, tpu.core_type = #tpu.core_type<tc>} {
    %get3A = arith.constant 0 : index
    %get3A_0 = arith.constant 0 : index
    %get3A_1 = vector.load %arg0[%get3A, %get3A_0] : memref<2000x128xf32, #tpu.memory_space<vmem>>, vector<2000x128xf32>
    %get3A_2 = arith.constant 0 : index
    %get3A_3 = arith.constant 0 : index
    %get3A_4 = arith.constant 0 : index
    %get3A_5 = vector.load %arg2[%get3A_2, %get3A_3, %get3A_4] : memref<2x2240x128xf32, #tpu.memory_space<vmem>>, vector<1x2000x128xf32>
    %get3A_6 = vector.shape_cast %get3A_5 : vector<1x2000x128xf32> to vector<2000x128xf32>
    %get3A_7 = arith.constant 1 : index
    %get3A_8 = arith.constant 0 : index
    %get3A_9 = arith.constant 0 : index
    %get3A_10 = vector.load %arg2[%get3A_7, %get3A_8, %get3A_9] : memref<2x2240x128xf32, #tpu.memory_space<vmem>>, vector<1x2000x128xf32>
    %get3A_11 = vector.shape_cast %get3A_10 : vector<1x2000x128xf32> to vector<2000x128xf32>
    %add3A = arith.addf %get3A_6, %get3A_11 : vector<2000x128xf32>
    %get3A_12 = arith.constant 0 : index
    %get3A_13 = arith.constant 0 : index
    %get3A_14 = arith.constant 0 : index
    %get3A_15 = vector.load %arg3[%get3A_12, %get3A_13, %get3A_14] : memref<2x2240x16xf32, #tpu.memory_space<vmem>>, vector<1x2000x16xf32>
    %get3A_16 = vector.shape_cast %get3A_15 : vector<1x2000x16xf32> to vector<2000x16xf32>
    %get3A_17 = arith.constant 1 : index
    %get3A_18 = arith.constant 0 : index
    %get3A_19 = arith.constant 0 : index
    %get3A_20 = vector.load %arg3[%get3A_17, %get3A_18, %get3A_19] : memref<2x2240x16xf32, #tpu.memory_space<vmem>>, vector<1x2000x16xf32>
    %get3A_21 = vector.shape_cast %get3A_20 : vector<1x2000x16xf32> to vector<2000x16xf32>
    %add3A_22 = arith.addf %get3A_16, %get3A_21 : vector<2000x16xf32>
    %get3A_23 = arith.constant 8000 : index
    %get3A_24 = arith.constant 0 : index
    %get3A_25 = vector.load %arg1[%get3A_23, %get3A_24] : memref<10240x16xf32, #tpu.memory_space<vmem>>, vector<2000x16xf32>
    %concatenate3A = tpu.concatenate %get3A_1, %add3A in 1 : vector<2000x128xf32>, vector<2000x128xf32> -> vector<2000x256xf32>
    %get3A_26 = arith.constant 0 : index
    %get3A_27 = arith.constant 0 : index
    %get3A_28 = vector.load %arg4[%get3A_26, %get3A_27] : memref<256x128xf32, #tpu.memory_space<vmem>>, vector<256x128xf32>
    %dot_general3A = arith.constant dense<0.000000e+00> : vector<2000x128xf32>
    %dot_general3A_29 = tpu.matmul %concatenate3A, %get3A_28, %dot_general3A {dimension_numbers = #tpu.dot_dimension_numbers<[1], [0], [0], [1], [0, 0, 1, 1], [], []>, transpose_lhs_hint = false} : vector<2000x256xf32>, vector<256x128xf32>, vector<2000x128xf32> -> vector<2000x128xf32>
    %get3A_30 = arith.constant 0 : index
    %get3A_31 = arith.constant 0 : index
    %get3A_32 = vector.load %arg5[%get3A_30, %get3A_31] : memref<1x128xf32, #tpu.memory_space<vmem>>, vector<1x128xf32>
    %add3A_33 = vector.broadcast %get3A_32 : vector<1x128xf32> to vector<2000x128xf32>
    %add3A_34 = arith.addf %dot_general3A_29, %add3A_33 : vector<2000x128xf32>
    %logistic3A = arith.negf %add3A_34 : vector<2000x128xf32>
    %logistic3A_35 = math.exp %logistic3A : vector<2000x128xf32>
    %logistic3A_36 = arith.constant 1.000000e+00 : f32
    %logistic3A_37 = vector.broadcast %logistic3A_36 : f32 to vector<2000x128xf32>
    %logistic3A_38 = arith.addf %logistic3A_37, %logistic3A_35 : vector<2000x128xf32>
    %logistic3A_39 = arith.divf %logistic3A_37, %logistic3A_38 : vector<2000x128xf32>
    %mul3A = arith.mulf %add3A_34, %logistic3A_39 : vector<2000x128xf32>
    %get3A_40 = arith.constant 0 : index
    %get3A_41 = arith.constant 0 : index
    %get3A_42 = vector.load %arg6[%get3A_40, %get3A_41] : memref<128x128xf32, #tpu.memory_space<vmem>>, vector<128x128xf32>
    %dot_general3A_43 = arith.constant dense<0.000000e+00> : vector<2000x128xf32>
    %dot_general3A_44 = tpu.matmul %mul3A, %get3A_42, %dot_general3A_43 {dimension_numbers = #tpu.dot_dimension_numbers<[1], [0], [0], [1], [0, 0, 1, 1], [], []>, transpose_lhs_hint = false} : vector<2000x128xf32>, vector<128x128xf32>, vector<2000x128xf32> -> vector<2000x128xf32>
    %add3A_45 = arith.addf %get3A_1, %dot_general3A_44 : vector<2000x128xf32>
    %get3A_46 = arith.constant 0 : index
    %get3A_47 = arith.constant 0 : index
    %get3A_48 = vector.load %arg7[%get3A_46, %get3A_47] : memref<1x128xf32, #tpu.memory_space<vmem>>, vector<1x128xf32>
    %add3A_49 = vector.broadcast %get3A_48 : vector<1x128xf32> to vector<2000x128xf32>
    %add3A_50 = arith.addf %add3A_45, %add3A_49 : vector<2000x128xf32>
    %add3A_51 = arith.addf %get3A_25, %add3A_22 : vector<2000x16xf32>
    %get3A_52 = arith.constant 0 : index
    %get3A_53 = arith.constant 0 : index
    %get3A_54 = vector.load %arg8[%get3A_52, %get3A_53] : memref<128x16xf32, #tpu.memory_space<vmem>>, vector<128x16xf32>
    %dot_general3A_55 = arith.constant dense<0.000000e+00> : vector<2000x16xf32>
    %dot_general3A_56 = tpu.matmul %add3A_50, %get3A_54, %dot_general3A_55 {dimension_numbers = #tpu.dot_dimension_numbers<[1], [0], [0], [1], [0, 0, 1, 1], [], []>, transpose_lhs_hint = false} : vector<2000x128xf32>, vector<128x16xf32>, vector<2000x16xf32> -> vector<2000x16xf32>
    %add3A_57 = arith.addf %add3A_51, %dot_general3A_56 : vector<2000x16xf32>
    %get3A_58 = arith.constant 0 : index
    %get3A_59 = arith.constant 0 : index
    %get3A_60 = vector.load %arg9[%get3A_58, %get3A_59] : memref<1x16xf32, #tpu.memory_space<vmem>>, vector<1x16xf32>
    %add3A_61 = vector.broadcast %get3A_60 : vector<1x16xf32> to vector<2000x16xf32>
    %add3A_62 = arith.addf %add3A_57, %add3A_61 : vector<2000x16xf32>
    %swap3A = arith.constant 0 : index
    %swap3A_63 = arith.constant 0 : index
    %swap3A_64 = vector.load %arg10[%swap3A, %swap3A_63] : memref<2000x16xf32, #tpu.memory_space<vmem>>, vector<2000x16xf32>
    tpu.vector_store %arg10[%swap3A, %swap3A_63], %add3A_62 {strides = array<i32>} : memref<2000x16xf32, #tpu.memory_space<vmem>>, vector<2000x16xf32>,
    return
  }
}

</mosaic_0001>

<sc_bundles>
// kernel: kernel.10.cloned.1.call-start
scs
__scs_entry_jumppad:
0x0: {  	(pc) =	sbr.rel $0x88, $3  }
0x1: {  	(tag) =	ssettag $0x0;
	lr =	simm.s32 $0x1  }
0x2: {  	[smem:$0x3F87] =	sst lr;
	_ =	strace $0xD0000000  }
0x3: {  	_ = 	snop  }
0x4: {  	_ = 	snop  }
0x5: {  	_ = 	snop  }
0x6: {  	_ = 	snop  }
0x7: {  	_ = 	snop  }
__scs_overlays_trampoline_lowered:
0x8: {  	[smem:$0x3F96] =	sst s0  }
0x9: {  	[smem:$0x3F97] =	sst s1  }
0xa: {  	[smem:$0x3F98] =	sst s2  }
0xb: {  	[smem:$0x3F99] =	sst s3  }
0xc: {  	[smem:$0x3F9A] =	sst s4  }
0xd: {  	[smem:$0x3F9B] =	sst s5  }
0xe: {  	[smem:$0x3F9C] =	sst s6  }
0xf: {  	[smem:$0x3F9D] =	sst s7  }
0x10: {  	[smem:$0x3F9E] =	sst s8  }
0x11: {  	[smem:$0x3F9F] =	sst s9;
	s0 =	simm.s32 @!p0 $0x0  }
0x12: {  	s1 =	sld [smem:$0x3F85];
	s0 =	simm.s32 @p0 $0x1  }
0x13: {  	[smem:$0x3FA0] =	sst s0;
	s0 =	simm.s32 @!p1 $0x0  }
0x14: {  	s2 =	sld [smem:$0x3F84];
	s0 =	simm.s32 @p1 $0x1  }
0x15: {  	[smem:$0x3FA1] =	sst s0;
	s0 =	simm.s32 @!p2 $0x0  }
0x16: {  	s3 =	sld [smem:$0x3FDB];
	s0 =	simm.s32 @p2 $0x1  }
0x17: {  	s4 =	simm.s32 $0x1BF5;
	[smem:$0x3FA3] =	sst s0  }
0x18: {  	s0 =	sld [smem:$0x3F86];
	_ =	swait.ge [sflag:s4], $0x0  }
0x19: {  	s7 =	sld [smem:$0x3F87]  }
0x1a: {  	s8 =	sadd.s32 $0xFFFFE003, lr  }
0x1b: {  	s9 =	sadd.s32 $0xFFFFFEF7, lr;
	s5 =	simm.s32 $0xFFFFFFFF;
	p2 =	slt.u32 s8, $0xFFFFF086  }
0x1c: {  	p1 =	slt.u32 s9, $0xF7A;
	s5 =	simm.s32 @!p2 $0x0  }
0x1d: {  	s5 =	simm.s32 @p1 $0x1;
	p0 =	seq.s32 s7, s2  }
0x1e: {  	s7 =	smul.u32 @!p0 $0xF7A, s2;
	p2 =	seq.s32 @!p0 s5, $0x0  }
0x1f: {  	s9 =	smul.u32 $0xF7A, s1;
	s8 =	simm.s32 @!p0 $0x1BF5;
	p2 =	por !p2, p0  }
0x20: {  	[sflag:s8] =	ssyncset.s32 @!p0 $0xFFFFF086;
	s6 =	sadd.s32 @!p0 s3, s7;
	s7 =	simm.s32 @!p0 $0x108  }
0x21: {  	s3 =	sadd.s32 s3, s9;
	s6 =	sadd.s32 @!p0 $0x88, s6;
	s7 =	simm.s32 @p2 $0x1082  }
0x22: {  	[simem:s7], [sflag:s8] =	dma.local @!p0 [hbm:s6], $0xF7A  }
0x23: {  	s9 =	sor.u32 $0xD0000000, s2;
	s6 =	simm.s32 $0x108;
	_ =	swait.ge @!p0 [sflag:s8], $0x0  }
0x24: {  	s3 =	sadd.s32 $0x88, s3;
	s6 =	simm.s32 @!p1 $0x1082;
	[sflag:s4] =	ssyncset.s32 $0xFFFFF086  }
0x25: {  	[simem:s6], [sflag:s4] =	dma.local [hbm:s3], $0xF7A  }
0x26: {  	[smem:$0x3F87] =	sst s1;
	(tag) =	ssettag s2;
	_ =	strace s9  }
0x27: {  	s1 =	sld [smem:$0x3F97]  }
0x28: {  	s2 =	sld [smem:$0x3F98]  }
0x29: {  	s4 =	sld [smem:$0x3F9A]  }
0x2a: {  	p0 =	seq.s32 s5, $0x0;
	s5 =	sld [smem:$0x3F9B]  }
0x2b: {  	s6 =	sld [smem:$0x3F9C]  }
0x2c: {  	s7 =	sld [smem:$0x3F9D]  }
0x2d: {  	s3 =	simm.s32 $0x108;
	s8 =	sld [smem:$0x3F9E]  }
0x2e: {  	s3 =	simm.s32 @!p0 $0x1082;
	s9 =	sld [smem:$0x3F9F]  }
0x2f: {  	lr =	sadd.s32 s0, s3;
	s0 =	sld [smem:$0x3F96]  }
0x30: {  	s3 =	sld [smem:$0x3F99]  }
0x31: {  	[smem:$0x3FA2] =	sst s10  }
0x32: {  	s10 =	sld [smem:$0x3FA0];
	_ =	sdelay $0x3  }
0x33: {  	p0 =	seq.s32 s10, $0x1;
	s10 =	sld [smem:$0x3FA2];
	_ =	sdelay $0x3  }
0x34: {  	[smem:$0x3FA2] =	sst s10  }
0x35: {  	s10 =	sld [smem:$0x3FA1];
	_ =	sdelay $0x3  }
0x36: {  	p1 =	seq.s32 s10, $0x1;
	s10 =	sld [smem:$0x3FA2];
	_ =	sdelay $0x3  }
0x37: {  	[smem:$0x3FA2] =	sst s10  }
0x38: {  	s10 =	sld [smem:$0x3FA3]  }
0x39: {  	_ = 	snop;
	(pc) =	sbr.ind lr, $3  }
0x3a: {  	_ = 	snop  }
0x3b: {  	_ = 	snop  }
0x3c: {  	p2 =	seq.s32 s10, $0x1;
	s10 =	sld [smem:$0x3FA2]  }
0x3d: {  	_ =	shalt  }
0x3e: {  	_ =	shalt  }
0x3f: {  	_ =	shalt  }
0x40: {  	_ =	shalt  }
0x41: {  	_ =	shalt  }
0x42: {  	_ =	shalt  }
0x43: {  	_ =	shalt  }
0x44: {  	_ =	shalt  }
0x45: {  	_ =	shalt  }
0x46: {  	_ =	shalt  }
0x47: {  	_ =	shalt  }
0x48: {  	_ =	shalt  }
0x49: {  	_ =	shalt  }
0x4a: {  	_ =	shalt  }
0x4b: {  	_ =	shalt  }
0x4c: {  	_ =	shalt  }
0x4d: {  	_ =	shalt  }
0x4e: {  	_ =	shalt  }
0x4f: {  	_ =	shalt  }
0x50: {  	_ =	shalt  }
0x51: {  	_ =	shalt  }
0x52: {  	_ =	shalt  }
0x53: {  	_ =	shalt  }
0x54: {  	_ =	shalt  }
0x55: {  	_ =	shalt  }
0x56: {  	_ =	shalt  }
0x57: {  	_ =	shalt  }
0x58: {  	_ =	shalt  }
0x59: {  	_ =	shalt  }
0x5a: {  	_ =	shalt  }
0x5b: {  	_ =	shalt  }
0x5c: {  	_ =	shalt  }
0x5d: {  	_ =	shalt  }
0x5e: {  	_ =	shalt  }
0x5f: {  	_ =	shalt  }
0x60: {  	_ =	shalt  }
0x61: {  	_ =	shalt  }
0x62: {  	_ =	shalt  }
0x63: {  	_ =	shalt  }
0x64: {  	_ =	shalt  }
0x65: {  	_ =	shalt  }
0x66: {  	_ =	shalt  }
0x67: {  	_ =	shalt  }
0x68: {  	_ =	shalt  }
0x69: {  	_ =	shalt  }
0x6a: {  	_ =	shalt  }
0x6b: {  	_ =	shalt  }
0x6c: {  	_ =	shalt  }
0x6d: {  	_ =	shalt  }
0x6e: {  	_ =	shalt  }
0x6f: {  	_ =	shalt  }
0x70: {  	_ =	shalt  }
0x71: {  	_ =	shalt  }
0x72: {  	_ =	shalt  }
0x73: {  	_ =	shalt  }
0x74: {  	_ =	shalt  }
0x75: {  	_ =	shalt  }
0x76: {  	_ =	shalt  }
0x77: {  	_ =	shalt  }
0x78: {  	_ =	shalt  }
0x79: {  	_ =	shalt  }
0x7a: {  	_ =	shalt  }
0x7b: {  	_ =	shalt  }
0x7c: {  	_ =	shalt  }
0x7d: {  	_ =	shalt  }
0x7e: {  	_ =	shalt  }
0x7f: {  	_ =	shalt  }
0x80: {  	_ =	shalt  }
0x81: {  	_ =	shalt  }
0x82: {  	_ =	shalt  }
0x83: {  	_ =	shalt  }
0x84: {  	_ =	shalt  }
0x85: {  	_ =	shalt  }
0x86: {  	_ =	shalt  }
0x87: {  	_ =	shalt  }
.Lfunc_end0:
.L_simem_size_0:
called_computation.1_lowered:
.L_overlay_start_0:
0x88: {  	s2 =	sld [smem:$0x3FD9]  }
0x89: {  	s3 =	sld [smem:$0x3FFE];
	_ =	sdelay $0x1  }
0x8a: {  	s1 =	srdreg.scid  }
0x8b: {  	s0 =	sand.u32 $0x1, s1  }
0x8c: {  	s17 =	sshll.u32 s0, $0xA;
	s2 =	sadd.s32 s3, s2  }
0x8d: {  	s2 =	sadd.s32 s2, s17  }
0x8e: {  	[smem:$0x3FAE] =	sst s2  }
0x8f: {  	_ = 	snop  }
0x90: {  	s2 =	sld [smem:$0x3FD0];
	(tm) =	ssettm $0x1  }
0x91: {  	s18 =	sld [smem:$0x3FFB];
	_ =	sdelay $0x3  }
0x92: {  	_ =	strace s18  }
0x93: {  	s3 =	sld [smem:$0x3FFC];
	_ =	sdelay $0x3  }
0x94: {  	_ =	strace s3  }
0x95: {  	s3 =	sld [smem:$0x3FFD];
	_ =	sdelay $0x3  }
0x96: {  	_ =	strace s3  }
0x97: {  	_ =	strace $0x8FFFFFFF  }
0x98: {  	s19 =	sld [smem:$0x3FDB];
	_ =	sdelay $0x1  }
0x99: {  	s4 =	simm.s32 $_scs_section_size  }
0x9a: {  	s5 =	simm.s32 $_size__tile_overlayer_lowered;
	s6 =	simm.s32 $_tile_overlayer_lowered  }
0x9b: {  	s22 =	simm.s32 $0x1BFF;
	s21 =	sshll.u32 s6, $0x1;
	s3 =	sadd.s32 s4, s19  }
0x9c: {  	s7 =	simm.s32 $0x0;
	s20 =	sshll.u32 s5, $0x1;
	s5 =	sadd.s32 s21, s3  }
0x9d: {  	[timem:s7], [sflag:s22] =	dma.local [hbm:s5], s20  }
0x9e: {  	_ =	swait.ge [sflag:s22], s20  }
0x9f: {  	s4 =	ssub.s32 $0x0, s20;
	[sflag:s22] =	ssyncset.done $0x0  }
0xa0: {  	[sflag:s22] =	ssyncadd.s32 s4;
	_ =	sdelay $0x1  }
0xa1: {  	s23 =	simm.s32 $0x1B8B  }
0xa2: {  	_ =	swait.ge [sflag:s23], $0x1  }
0xa3: {  	[sflag:s23] =	ssyncset.done $0x0  }
0xa4: {  	s25 =	simm.s32 $0x1B8E;
	s24 =	sld [smem:$0x3FFE];
	[sflag:s23] =	ssyncadd.s32 $0xFFFFFFFF  }
0xa5: {  	s26 =	simm.s32 $execute0_lowered;
	[smem:$0x3FD2] =	sst s25  }
0xa6: {  	s5 =	sshll.u32 s26, $0x1;
	_ =	strace $0x80000049;
	[dreg:$0x1] =	wrdreg $0xFFFFFFFF  }
0xa7: {  	s28 =	simm.s32 $_size_execute0_lowered;
	s3 =	sadd.s32 s3, s5;
	[dreg:$0x0] =	wrdreg $0x0  }
0xa8: {  	s5 =	sshll.u32 s28, $0x1;
	[dreg:$0x2] =	wrdreg s3  }
0xa9: {  	[dreg:$0x3] =	wrdreg s5  }
0xaa: {  	[dreg:$0x4] =	wrdreg $0xC0  }
0xab: {  	_ =	task [dreg:s7], $0x5FFFF  }
0xac: {  	[dreg:$0x1] =	wrdreg $0xFFFFFFFF  }
0xad: {  	[dreg:$0x0] =	wrdreg $0x60  }
0xae: {  	[dreg:$0x2] =	wrdreg s24  }
0xaf: {  	[dreg:$0x3] =	wrdreg s2  }
0xb0: {  	[dreg:$0x4] =	wrdreg $0x90900  }
0xb1: {  	[dreg:$0x5] =	wrdreg $0xD8900  }
0xb2: {  	[dreg:$0x6] =	wrdreg $0x9  }
0xb3: {  	_ =	task.clear_ibuf [dreg:s7], $0x7FFFF;
	_ =	strace $0x90000049  }
0xb4: {  	s29 =	simm.s32 $0x9;
	_ =	strace $0x8000004B  }
0xb5: {  	_ =	swait.ge [sflag:s29], $0x1  }
0xb6: {  	[sflag:s29] =	ssyncadd.s32 $0xFFFFFFFF  }
0xb7: {  	_ =	strace $0x9000004B  }
0xb8: {  	_ =	sfence  }
0xb9: {  	s30 =	sld [smem:$0x0];
	_ =	sdelay $0x2  }
0xba: {  	s31 =	sshll.u32 s1, $0xD;
	s1 =	sshrl.u32 s1, $0x2  }
0xbb: {  	s3 =	sand.u32 $0x4000, s31;
	s1 =	sadd.s32 s1, s30  }
0xbc: {  	s0 =	sor.u32 s3, s0;
	s1 =	sshll.u32 s1, $0x11  }
0xbd: {  	s0 =	sor.u32 s1, s0  }
0xbe: {  	s0 =	sadd.s32 $0x8F2B, s0  }
0xbf: {  	[sflag:s0] =	ssyncadd.remote.s32 $0x1  }
0xc0: {  	_ =	sfence.sel $0xFFFF  }
0xc1: {  	[dreg:$0x0] =	wrdreg $0xFFFFFFFF;
	(pc) =	sbr.abs _section_cstart, $3  }
0xc2: {  	[dreg:$0x1] =	wrdreg $0xFFFFFFFF  }
0xc3: {  	_ =	task.clear_ibuf [dreg:s7], $0x2FFFF;
	_ =	strace $0x9FFFFFFF  }
0xc4: {  	(tm) =	ssettm $0x7FFFFFFF  }
0xc5: {  	_ =	shalt  }
tec
execute0_lowered:
.L_overlay_start_1:
0x0: {  	(tag) =	ssettag $0x1  }
0x1: {  	s0 =	stileid.u32  }
0x2: {  	s6 =	smul.u32 $0x28000, s0  }
0x3: {  	s7 =	smul.u32 $0x5000, s0  }
0x4: {  	s10 =	smul.u32 $0x2800, s0  }
0x5: {  	s13 =	smul.u32 $0x4600, s0  }
0x6: {  	s4 =	simm.s32 $0x0;
	s16 =	smul.u32 $0x8C0, s0  }
0x7: {  	[smem:$0x7FF] =	sst s4;
	s4 =	smul.u32 $0x90, s0  }
0x8: {  	s1 =	srdreg.scid;
	s22 =	smul.u32 $0x12000, s0  }
0x9: {  	s5 =	rddreg [dreg:$0x0];
	s9 =	sand.u32 $0x1, s1;
	s23 =	smul.u32 $0x2400, s0  }
0xa: {  	s8 =	rddreg [dreg:$0x1];
	s11 =	smul.u32 $0x1400, s9  }
0xb: {  	s2 =	rddreg [dreg:$0x2];
	s12 =	smul.u32 $0x46000, s9  }
0xc: {  	s3 =	rddreg [dreg:$0x3];
	s20 =	sshll.u32 s0, $0x2;
	s14 =	smul.u32 $0x8C00, s9  }
0xd: {  	_ =	strace $0x8000004A;
	s1 =	ssub.s32 $0x2, s9;
	s21 =	sshll.u32 s9, $0x1  }
0xe: {  	s29 =	smul.u32 $0x2800, s9;
	s15 =	sadd.s32 s6, s5;
	s17 =	sadd.s32 s7, s5  }
0xf: {  	s19 =	sshrl.u32 s1, $0x1;
	s24 =	sshrl.u32 s22, $0x2;
	s25 =	sshrl.u32 s23, $0x2  }
0x10: {  	s26 =	sadd.s32 $0x80, s4;
	s22 =	sadd.s32 s16, s3;
	s7 =	sadd.s32 s11, s10  }
0x11: {  	s10 =	sadd.s32 s13, s12;
	s11 =	sadd.s32 s16, s14;
	s19 =	ssub.s32 s1, s19  }
0x12: {  	s28 =	sshll.u32 s26, $0x7;
	s6 =	sshrl.u32 s7, $0x3;
	s7 =	sshrl.u32 s10, $0x3  }
0x13: {  	s30 =	sshrl.u32 s11, $0x3;
	s10 =	sshll.u32 s26, $0x4;
	s14 =	smax.u32 s19, $0x1  }
0x14: {  	s19 =	simm.s32 $0x8880;
	s18 =	sadd.s32 s6, s5;
	s12 =	sadd.s32 s7, s5  }
0x15: {  	s31 =	sadd.s32 s30, s5;
	s6 =	sor.u32 s21, s20;
	s7 =	sadd.s32 s25, s3  }
0x16: {  	s20 =	smul.u32 $0x14000, s9;
	s9 =	sadd.s32 s10, s3;
	s21 =	sadd.s32 s13, s2  }
0x17: {  	s30 =	sadd.s32 s29, s17;
	s17 =	simm.s32 $0x1;
	s5 =	sadd.s32 s8, s6  }
0x18: {  	s6 =	sadd.s32 s24, s2;
	s8 =	sadd.s32 s28, s2;
	s10 =	sadd.s32 $0x4A00, s12  }
0x19: {  	s11 =	sadd.s32 $0x2600, s31;
	s12 =	sadd.s32 $0x63B400, s30;
	s31 =	sadd.s32 s20, s15  }
0x1a: {  	s15 =	sadd.s32 $0x636400, s18;
	s18 =	simm.s32 $0x4880;
	s20 =	sshrl.u32 s21, $0x3  }
0x1b: {  	v0 =	vimm.f32 $0.0e+00;
	s21 =	sshrl.u32 s22, $0x3;
	s22 =	simm.s32 $0x0;
	s13 =	sadd.s32 $0xDBB600, s31  }
.LBB2_1:
0x1c: {  	s1 =	simm.s32 $0x0;
	s4 =	simm.s32 $0x9080  }
0x1d: {  	[tilespmem:s4], [sflag:$0x1] =	stream.linear.gather [hbm4b:s5+s1], $0x10, $0x38;
	[tilespmem:$0xE190] =	vst v63  }
0x1e: {  	_ =	swait.ge [sflag:s17], $0x10  }
0x1f: {  	[sflag:s17] =	ssyncset.done $0x0  }
0x20: {  	s23 =	simm.s32 $0x48C0;
	[sflag:s17] =	ssyncadd.s32 $0xFFFFFFF0  }
0x21: {  	v1 =	vld [tilespmem:$0x9080];
	[tilespmem:s23+$0xFFFFFFD0] =	vst v0  }
0x22: {  	[tilespmem:s23+$0xFFFFFFE0] =	vst v0  }
0x23: {  	[tilespmem:s23+$0xFFFFFFF0] =	vst v0  }
0x24: {  	[tilespmem:s23+$0x0] =	vst v0  }
0x25: {  	[tilespmem:s23+$0x10] =	vst v0  }
0x26: {  	[tilespmem:s23+$0x20] =	vst v0  }
0x27: {  	[tilespmem:s23+$0x30] =	vst v0  }
0x28: {  	s25 =	simm.s32 $0x0;
	s24 =	simm.s32 $0x40;
	[tilespmem:s23+$0xFFFFFFC0] =	vst v0  }
.LBB2_2:
0x29: {  	p0 =	sne.s32 s24, $0x1FC0;
	[tilespmem:s25+$0x8880] =	vst v0;
	s23 =	sadd.s32 $0x80, s23  }
0x2a: {  	[tilespmem:s23+$0xFFFFFFD0] =	vst v0  }
0x2b: {  	[tilespmem:s23+$0xFFFFFFE0] =	vst v0  }
0x2c: {  	[tilespmem:s23+$0xFFFFFFF0] =	vst v0  }
.Ltmp0:
0x2d: {  	[tilespmem:s23+$0x0] =	vst v0;
	(pc) =	sbr.rel @p0 .LBB2_2-.Ltmp0, $4  }
0x2e: {  	[tilespmem:s23+$0x10] =	vst v0  }
0x2f: {  	[tilespmem:s23+$0x20] =	vst v0  }
0x30: {  	[tilespmem:s23+$0x30] =	vst v0  }
0x31: {  	s25 =	sshra.s32 s24, $0x2;
	s24 =	sadd.s32 $0x40, s24;
	[tilespmem:s23+$0xFFFFFFC0] =	vst v0  }
0x32: {  	v1 =	vxor.u32 $0x80000000, v1  }
0x33: {  	(xrf0) =	vmax.scan.msk.u32 $0xffff, v1;
	_ =	sdelay $0x5  }
0x34: {  	v1, _, _ =	vpop (xrf0)  }
0x35: {  	(v2sf) =	vpush v1, $0xF;
	_ =	sdelay $0xc  }
0x36: {  	[tilespmem:s25+$0x8880] =	vst v0  }
0x37: {  	[spmem:s6] =	stream.linear.scatter [tilespmem:s18], [sflag:$0x1], $0x4000, $0x38;
	[tilespmem:$0xE190] =	vst v63  }
0x38: {  	s23 =	spop (v2sf)  }
0x39: {  	_ =	swait.ge [sflag:s17], $0x4000  }
0x3a: {  	[sflag:s17] =	ssyncset.done $0x0  }
0x3b: {  	[sflag:s17] =	ssyncadd.s32 $0xFFFFC000  }
0x3c: {  	[spmem:s7] =	stream.linear.scatter [tilespmem:s19], [sflag:$0x1], $0x800, $0x38;
	[tilespmem:$0xE190] =	vst v63  }
0x3d: {  	_ =	swait.ge [sflag:s17], $0x800  }
0x3e: {  	[sflag:s17] =	ssyncset.done $0x0  }
0x3f: {  	[sflag:s17] =	ssyncadd.s32 $0xFFFFF800  }
0x40: {  	[spmem:s8] =	stream.linear.scatter [tilespmem:s18], [sflag:$0x1], $0x800, $0x38;
	[tilespmem:$0xE190] =	vst v63  }
0x41: {  	_ =	swait.ge [sflag:s17], $0x800  }
0x42: {  	[sflag:s17] =	ssyncset.done $0x0  }
0x43: {  	[sflag:s17] =	ssyncadd.s32 $0xFFFFF800  }
0x44: {  	[spmem:s9] =	stream.linear.scatter [tilespmem:s19], [sflag:$0x1], $0x100, $0x38;
	[tilespmem:$0xE190] =	vst v63  }
0x45: {  	_ =	swait.ge [sflag:s17], $0x100  }
0x46: {  	s23 =	sxor.u32 $0x80000000, s23;
	[sflag:s17] =	ssyncset.done $0x0  }
0x47: {  	p0 =	sle.s32 s23, $0x0;
	[sflag:s17] =	ssyncadd.s32 $0xFFFFFF00  }
0x48: {  	s24 =	simm.s32 @!p0 $0x0;
	s25 =	simm.s32 @!p0 $0x2;
	[bflag:$0x0] =	sbarrier.arrive $0xFFFF  }
0x49: {  	[tilespmem:s24], [sflag:$0x2] =	stream.linear.gather @!p0 [hbm4b:s15+s24], $0x80, $0x38;
	[tilespmem:$0xE190] =	vst v63  }
0x4a: {  	_ =	swait.ge @!p0 [sflag:s25], $0x80  }
0x4b: {  	[sflag:s25] =	ssyncset.done @!p0 $0x0;
	p0 =	por p0, p0  }
0x4c: {  	[sflag:s25] =	ssyncadd.s32 @!p0 $0xFFFFFF80;
	s28 =	simm.s32 @!p0 $0x80  }
0x4d: {  	[tilespmem:s28], [sflag:$0x2] =	stream.linear.gather @!p0 [hbm4b:s13+s24], $0x4000, $0x38;
	[tilespmem:$0xE190] =	vst v63  }
0x4e: {  	_ =	swait.ge @!p0 [sflag:s25], $0x4000  }
0x4f: {  	[sflag:s25] =	ssyncset.done @!p0 $0x0  }
0x50: {  	s30 =	simm.s32 @!p0 $0x4080;
	[sflag:s25] =	ssyncadd.s32 @!p0 $0xFFFFC000  }
0x51: {  	[tilespmem:s30], [sflag:$0x2] =	stream.linear.gather @!p0 [hbm4b:s12+s24], $0x800, $0x38;
	[tilespmem:$0xE190] =	vst v63  }
0x52: {  	_ =	swait.ge @!p0 [sflag:s25], $0x800  }
0x53: {  	[sflag:s25] =	ssyncset.done @!p0 $0x0  }
0x54: {  	[sflag:s25] =	ssyncadd.s32 @!p0 $0xFFFFF800  }
0x55: {  	[spmem:s2] =	stream.indirect.scatter.add.f32 @!p0 [tilespmem:s28], [sflag:$0x2], $0x80, s24, s28, $0xb8;
	[tilespmem:$0xE190] =	vst v63  }
0x56: {  	_ =	swait.ge @!p0 [sflag:s25], $0x4000  }
0x57: {  	[sflag:s25] =	ssyncset.done @!p0 $0x0  }
0x58: {  	s26 =	simm.s32 $0x100;
	s29 =	simm.s32 @!p0 $0x1;
	[sflag:s25] =	ssyncadd.s32 @!p0 $0xFFFFC000  }
0x59: {  	[spmem:s3] =	stream.indirect.scatter.add.f32 @!p0 [tilespmem:s30], [sflag:$0x1], $0x10, s24, s28, $0xb8;
	[tilespmem:$0xE190] =	vst v63  }
0x5a: {  	p2 =	sle.s32 s23, $0x80;
	s25 =	sadd.s32 $0x800, s13;
	_ =	swait.ge @!p0 [sflag:s29], $0x800  }
0x5b: {  	s28 =	sadd.s32 $0x10, s15;
	s24 =	sadd.s32 $0x100, s12;
	[sflag:s29] =	ssyncset.done @!p0 $0x0  }
.LBB2_4:
0x5c: {  	s30 =	simm.s32 @!p2 $0x0;
	s31 =	simm.s32 @!p2 $0x2;
	[sflag:s29] =	ssyncadd.s32 @!p0 $0xFFFFF800  }
0x5d: {  	[tilespmem:s30], [sflag:$0x2] =	stream.linear.gather @!p2 [hbm4b:s28+s30], $0x80, $0x38;
	[tilespmem:$0xE190] =	vst v63  }
0x5e: {  	s1 =	smov.u32 s26;
	s26 =	sadd.s32 $0x80, s26;
	_ =	swait.ge @!p2 [sflag:s31], $0x80  }
0x5f: {  	p0 =	por p2, p2;
	p1 =	sne.s32 s26, $0x1400;
	[sflag:s31] =	ssyncset.done @!p2 $0x0  }
0x60: {  	s4 =	simm.s32 @!p0 $0x80;
	[sflag:s31] =	ssyncadd.s32 @!p0 $0xFFFFFF80  }
0x61: {  	[tilespmem:s4], [sflag:$0x2] =	stream.linear.gather @!p0 [hbm4b:s25+s30], $0x4000, $0x38;
	[tilespmem:$0xE190] =	vst v63  }
0x62: {  	_ =	swait.ge @!p0 [sflag:s31], $0x4000  }
0x63: {  	[sflag:s31] =	ssyncset.done @!p0 $0x0  }
0x64: {  	s16 =	simm.s32 @!p0 $0x4080;
	[sflag:s31] =	ssyncadd.s32 @!p0 $0xFFFFC000  }
0x65: {  	[tilespmem:s16], [sflag:$0x2] =	stream.linear.gather @!p0 [hbm4b:s24+s30], $0x800, $0x38;
	[tilespmem:$0xE190] =	vst v63  }
0x66: {  	_ =	swait.ge @!p0 [sflag:s31], $0x800  }
0x67: {  	[sflag:s31] =	ssyncset.done @!p0 $0x0  }
0x68: {  	[sflag:s31] =	ssyncadd.s32 @!p0 $0xFFFFF800  }
0x69: {  	[spmem:s2] =	stream.indirect.scatter.add.f32 @!p0 [tilespmem:s4], [sflag:$0x2], $0x80, s30, s4, $0xb8;
	[tilespmem:$0xE190] =	vst v63  }
0x6a: {  	_ =	swait.ge @!p0 [sflag:s31], $0x4000  }
.Ltmp1:
0x6b: {  	[sflag:s31] =	ssyncset.done @!p0 $0x0;
	(pc) =	sbr.rel @p1 .LBB2_4-.Ltmp1, $4  }
0x6c: {  	s29 =	simm.s32 @!p0 $0x1;
	[sflag:s31] =	ssyncadd.s32 @!p0 $0xFFFFC000  }
0x6d: {  	[spmem:s3] =	stream.indirect.scatter.add.f32 @!p0 [tilespmem:s16], [sflag:$0x1], $0x10, s30, s4, $0xb8;
	[tilespmem:$0xE190] =	vst v63  }
0x6e: {  	s28 =	sadd.s32 $0x10, s28;
	s25 =	sadd.s32 $0x800, s25;
	_ =	swait.ge @!p0 [sflag:s29], $0x800  }
0x6f: {  	p2 =	sge.s32 s1, s23;
	s24 =	sadd.s32 $0x100, s24;
	[sflag:s29] =	ssyncset.done @!p0 $0x0  }
0x70: {  	s1 =	simm.s32 @!p2 $0x0;
	s4 =	simm.s32 @!p2 $0x2;
	[sflag:s29] =	ssyncadd.s32 @!p0 $0xFFFFF800  }
0x71: {  	[tilespmem:s1], [sflag:$0x2] =	stream.linear.gather @!p2 [hbm4b:s28+s1], $0x80, $0x38;
	[tilespmem:$0xE190] =	vst v63  }
0x72: {  	_ =	swait.ge @!p2 [sflag:s4], $0x80  }
0x73: {  	p0 =	por p2, p2;
	[sflag:s4] =	ssyncset.done @!p2 $0x0  }
0x74: {  	s16 =	simm.s32 @!p0 $0x80;
	[sflag:s4] =	ssyncadd.s32 @!p0 $0xFFFFFF80  }
0x75: {  	[tilespmem:s16], [sflag:$0x2] =	stream.linear.gather @!p0 [hbm4b:s25+s1], $0x4000, $0x38;
	[tilespmem:$0xE190] =	vst v63  }
0x76: {  	_ =	swait.ge @!p0 [sflag:s4], $0x4000  }
0x77: {  	[sflag:s4] =	ssyncset.done @!p0 $0x0  }
0x78: {  	s23 =	simm.s32 @!p0 $0x4080;
	[sflag:s4] =	ssyncadd.s32 @!p0 $0xFFFFC000  }
0x79: {  	[tilespmem:s23], [sflag:$0x2] =	stream.linear.gather @!p0 [hbm4b:s24+s1], $0x800, $0x38;
	[tilespmem:$0xE190] =	vst v63  }
0x7a: {  	_ =	swait.ge @!p0 [sflag:s4], $0x800  }
0x7b: {  	[sflag:s4] =	ssyncset.done @!p0 $0x0  }
0x7c: {  	[sflag:s4] =	ssyncadd.s32 @!p0 $0xFFFFF800  }
0x7d: {  	[spmem:s2] =	stream.indirect.scatter.add.f32 @!p0 [tilespmem:s16], [sflag:$0x2], $0x80, s1, s16, $0xb8;
	[tilespmem:$0xE190] =	vst v63  }
0x7e: {  	_ =	swait.ge @!p0 [sflag:s4], $0x4000  }
0x7f: {  	[sflag:s4] =	ssyncset.done @!p0 $0x0  }
0x80: {  	[sflag:s4] =	ssyncadd.s32 @!p0 $0xFFFFC000;
	s4 =	simm.s32 @!p0 $0x1  }
0x81: {  	[spmem:s3] =	stream.indirect.scatter.add.f32 @!p0 [tilespmem:s23], [sflag:$0x1], $0x10, s1, s16, $0xb8;
	[tilespmem:$0xE190] =	vst v63  }
0x82: {  	_ =	swait.ge @!p0 [sflag:s4], $0x800  }
0x83: {  	[sflag:s4] =	ssyncset.done @!p0 $0x0  }
0x84: {  	s31 =	sshll.u32 s0, $0x6;
	[sflag:s4] =	ssyncadd.s32 @!p0 $0xFFFFF800  }
0x85: {  	s1 =	sor.u32 $0x1C01, s31;
	[bflag:$0x0] =	sbarrier.arrive $0xFFFF  }
0x86: {  	[hbm:s10], [sflag:s1] =	dma.local [spmem:s20], $0x8C0  }
0x87: {  	s22 =	sadd.s32 $0x1, s22;
	_ =	swait.ge [sflag:s17], $0x8C0  }
0x88: {  	p0 =	sne.s32 s22, s14;
	[sflag:s17] =	ssyncset.done $0x0  }
.Ltmp2:
0x89: {  	[sflag:s17] =	ssyncadd.s32 $0xFFFFF740;
	(pc) =	sbr.rel @p0 .LBB2_1-.Ltmp2, $4  }
0x8a: {  	[hbm:s11], [sflag:s1] =	dma.local [spmem:s21], $0x118  }
0x8b: {  	_ =	swait.ge [sflag:s17], $0x118  }
0x8c: {  	[sflag:s17] =	ssyncset.done $0x0  }
0x8d: {  	[sflag:s17] =	ssyncadd.s32 $0xFFFFFEE8  }
0x8e: {  	_ =	sfence.sel $0x180000  }
0x8f: {  	[bflag:$0x0] =	sbarrier.arrive $0xFFFF  }
0x90: {  	_ =	strace $0x9000004A  }
0x91: {  	[bflag:$0x2] =	sbarrier.arrive $0xFFFF  }
0x92: {  	p0 =	sne.s32 s0, $0x0;
	s0 =	rddreg [dreg:$0x4]  }
0x93: {  	s0 =	sadd.s32 @!p0 $0x100000, s0  }
0x94: {  	[sflag:s0] =	ssyncadd.tile.s32 @!p0 $0x1;
	_ =	shalt  }
.Lfunc_end2:
_tile_overlayer_lowered:
.L_overlay_start_2:
0x95: {  	(tag) =	ssettag $0x2  }
0x96: {  	s0 =	rddreg [dreg:$0x0];
	s2 =	stileid.u32  }
0x97: {  	s1 =	rddreg [dreg:$0x1];
	p0 =	sne.s32 s2, $0x0  }
0x98: {  	s3 =	rddreg [dreg:$0x2];
	[bflag:$0x3] =	sbarrier.arrive $0xFFFF;
	s2 =	simm.s32 @!p0 $0x1C01  }
0x99: {  	[timem:s3], [sflag:s2] =	dma.local @!p0 [hbm:s0], s1  }
0x9a: {  	s0 =	simm.s32 @!p0 $0x1  }
0x9b: {  	_ =	swait.ge @!p0 [sflag:s0], s1  }
0x9c: {  	s1 =	ssub.s32 @!p0 $0x0, s1;
	[sflag:s0] =	ssyncset.done @!p0 $0x0  }
0x9d: {  	[sflag:s0] =	ssyncadd.s32 @!p0 s1  }
0x9e: {  	[bflag:$0x3] =	sbarrier.arrive $0xFFFF  }
0x9f: {  	_ =	shalt  }

// kernel: kernel.7.cloned.1.call-start
scs
__scs_entry_jumppad:
0x0: {  	(pc) =	sbr.rel $0x88, $3  }
0x1: {  	(tag) =	ssettag $0x0;
	lr =	simm.s32 $0x1  }
0x2: {  	[smem:$0x3F87] =	sst lr;
	_ =	strace $0xD0000000  }
0x3: {  	_ = 	snop  }
0x4: {  	_ = 	snop  }
0x5: {  	_ = 	snop  }
0x6: {  	_ = 	snop  }
0x7: {  	_ = 	snop  }
__scs_overlays_trampoline_lowered:
0x8: {  	[smem:$0x3F96] =	sst s0  }
0x9: {  	[smem:$0x3F97] =	sst s1  }
0xa: {  	[smem:$0x3F98] =	sst s2  }
0xb: {  	[smem:$0x3F99] =	sst s3  }
0xc: {  	[smem:$0x3F9A] =	sst s4  }
0xd: {  	[smem:$0x3F9B] =	sst s5  }
0xe: {  	[smem:$0x3F9C] =	sst s6  }
0xf: {  	[smem:$0x3F9D] =	sst s7  }
0x10: {  	[smem:$0x3F9E] =	sst s8  }
0x11: {  	[smem:$0x3F9F] =	sst s9;
	s0 =	simm.s32 @!p0 $0x0  }
0x12: {  	s1 =	sld [smem:$0x3F85];
	s0 =	simm.s32 @p0 $0x1  }
0x13: {  	[smem:$0x3FA0] =	sst s0;
	s0 =	simm.s32 @!p1 $0x0  }
0x14: {  	s2 =	sld [smem:$0x3F84];
	s0 =	simm.s32 @p1 $0x1  }
0x15: {  	[smem:$0x3FA1] =	sst s0;
	s0 =	simm.s32 @!p2 $0x0  }
0x16: {  	s3 =	sld [smem:$0x3FDB];
	s0 =	simm.s32 @p2 $0x1  }
0x17: {  	s4 =	simm.s32 $0x1BF5;
	[smem:$0x3FA3] =	sst s0  }
0x18: {  	s0 =	sld [smem:$0x3F86];
	_ =	swait.ge [sflag:s4], $0x0  }
0x19: {  	s7 =	sld [smem:$0x3F87]  }
0x1a: {  	s8 =	sadd.s32 $0xFFFFE003, lr  }
0x1b: {  	s9 =	sadd.s32 $0xFFFFFEF7, lr;
	s5 =	simm.s32 $0xFFFFFFFF;
	p2 =	slt.u32 s8, $0xFFFFF086  }
0x1c: {  	p1 =	slt.u32 s9, $0xF7A;
	s5 =	simm.s32 @!p2 $0x0  }
0x1d: {  	s5 =	simm.s32 @p1 $0x1;
	p0 =	seq.s32 s7, s2  }
0x1e: {  	s7 =	smul.u32 @!p0 $0xF7A, s2;
	p2 =	seq.s32 @!p0 s5, $0x0  }
0x1f: {  	s9 =	smul.u32 $0xF7A, s1;
	s8 =	simm.s32 @!p0 $0x1BF5;
	p2 =	por !p2, p0  }
0x20: {  	[sflag:s8] =	ssyncset.s32 @!p0 $0xFFFFF086;
	s6 =	sadd.s32 @!p0 s3, s7;
	s7 =	simm.s32 @!p0 $0x108  }
0x21: {  	s3 =	sadd.s32 s3, s9;
	s6 =	sadd.s32 @!p0 $0x88, s6;
	s7 =	simm.s32 @p2 $0x1082  }
0x22: {  	[simem:s7], [sflag:s8] =	dma.local @!p0 [hbm:s6], $0xF7A  }
0x23: {  	s9 =	sor.u32 $0xD0000000, s2;
	s6 =	simm.s32 $0x108;
	_ =	swait.ge @!p0 [sflag:s8], $0x0  }
0x24: {  	s3 =	sadd.s32 $0x88, s3;
	s6 =	simm.s32 @!p1 $0x1082;
	[sflag:s4] =	ssyncset.s32 $0xFFFFF086  }
0x25: {  	[simem:s6], [sflag:s4] =	dma.local [hbm:s3], $0xF7A  }
0x26: {  	[smem:$0x3F87] =	sst s1;
	(tag) =	ssettag s2;
	_ =	strace s9  }
0x27: {  	s1 =	sld [smem:$0x3F97]  }
0x28: {  	s2 =	sld [smem:$0x3F98]  }
0x29: {  	s4 =	sld [smem:$0x3F9A]  }
0x2a: {  	p0 =	seq.s32 s5, $0x0;
	s5 =	sld [smem:$0x3F9B]  }
0x2b: {  	s6 =	sld [smem:$0x3F9C]  }
0x2c: {  	s7 =	sld [smem:$0x3F9D]  }
0x2d: {  	s3 =	simm.s32 $0x108;
	s8 =	sld [smem:$0x3F9E]  }
0x2e: {  	s3 =	simm.s32 @!p0 $0x1082;
	s9 =	sld [smem:$0x3F9F]  }
0x2f: {  	lr =	sadd.s32 s0, s3;
	s0 =	sld [smem:$0x3F96]  }
0x30: {  	s3 =	sld [smem:$0x3F99]  }
0x31: {  	[smem:$0x3FA2] =	sst s10  }
0x32: {  	s10 =	sld [smem:$0x3FA0];
	_ =	sdelay $0x3  }
0x33: {  	p0 =	seq.s32 s10, $0x1;
	s10 =	sld [smem:$0x3FA2];
	_ =	sdelay $0x3  }
0x34: {  	[smem:$0x3FA2] =	sst s10  }
0x35: {  	s10 =	sld [smem:$0x3FA1];
	_ =	sdelay $0x3  }
0x36: {  	p1 =	seq.s32 s10, $0x1;
	s10 =	sld [smem:$0x3FA2];
	_ =	sdelay $0x3  }
0x37: {  	[smem:$0x3FA2] =	sst s10  }
0x38: {  	s10 =	sld [smem:$0x3FA3]  }
0x39: {  	_ = 	snop;
	(pc) =	sbr.ind lr, $3  }
0x3a: {  	_ = 	snop  }
0x3b: {  	_ = 	snop  }
0x3c: {  	p2 =	seq.s32 s10, $0x1;
	s10 =	sld [smem:$0x3FA2]  }
0x3d: {  	_ =	shalt  }
0x3e: {  	_ =	shalt  }
0x3f: {  	_ =	shalt  }
0x40: {  	_ =	shalt  }
0x41: {  	_ =	shalt  }
0x42: {  	_ =	shalt  }
0x43: {  	_ =	shalt  }
0x44: {  	_ =	shalt  }
0x45: {  	_ =	shalt  }
0x46: {  	_ =	shalt  }
0x47: {  	_ =	shalt  }
0x48: {  	_ =	shalt  }
0x49: {  	_ =	shalt  }
0x4a: {  	_ =	shalt  }
0x4b: {  	_ =	shalt  }
0x4c: {  	_ =	shalt  }
0x4d: {  	_ =	shalt  }
0x4e: {  	_ =	shalt  }
0x4f: {  	_ =	shalt  }
0x50: {  	_ =	shalt  }
0x51: {  	_ =	shalt  }
0x52: {  	_ =	shalt  }
0x53: {  	_ =	shalt  }
0x54: {  	_ =	shalt  }
0x55: {  	_ =	shalt  }
0x56: {  	_ =	shalt  }
0x57: {  	_ =	shalt  }
0x58: {  	_ =	shalt  }
0x59: {  	_ =	shalt  }
0x5a: {  	_ =	shalt  }
0x5b: {  	_ =	shalt  }
0x5c: {  	_ =	shalt  }
0x5d: {  	_ =	shalt  }
0x5e: {  	_ =	shalt  }
0x5f: {  	_ =	shalt  }
0x60: {  	_ =	shalt  }
0x61: {  	_ =	shalt  }
0x62: {  	_ =	shalt  }
0x63: {  	_ =	shalt  }
0x64: {  	_ =	shalt  }
0x65: {  	_ =	shalt  }
0x66: {  	_ =	shalt  }
0x67: {  	_ =	shalt  }
0x68: {  	_ =	shalt  }
0x69: {  	_ =	shalt  }
0x6a: {  	_ =	shalt  }
0x6b: {  	_ =	shalt  }
0x6c: {  	_ =	shalt  }
0x6d: {  	_ =	shalt  }
0x6e: {  	_ =	shalt  }
0x6f: {  	_ =	shalt  }
0x70: {  	_ =	shalt  }
0x71: {  	_ =	shalt  }
0x72: {  	_ =	shalt  }
0x73: {  	_ =	shalt  }
0x74: {  	_ =	shalt  }
0x75: {  	_ =	shalt  }
0x76: {  	_ =	shalt  }
0x77: {  	_ =	shalt  }
0x78: {  	_ =	shalt  }
0x79: {  	_ =	shalt  }
0x7a: {  	_ =	shalt  }
0x7b: {  	_ =	shalt  }
0x7c: {  	_ =	shalt  }
0x7d: {  	_ =	shalt  }
0x7e: {  	_ =	shalt  }
0x7f: {  	_ =	shalt  }
0x80: {  	_ =	shalt  }
0x81: {  	_ =	shalt  }
0x82: {  	_ =	shalt  }
0x83: {  	_ =	shalt  }
0x84: {  	_ =	shalt  }
0x85: {  	_ =	shalt  }
0x86: {  	_ =	shalt  }
0x87: {  	_ =	shalt  }
.Lfunc_end0:
.L_simem_size_0:
called_computation_lowered:
.L_overlay_start_0:
0x88: {  	s2 =	sld [smem:$0x3FD9]  }
0x89: {  	s3 =	sld [smem:$0x3FFE];
	_ =	sdelay $0x1  }
0x8a: {  	s1 =	srdreg.scid  }
0x8b: {  	s0 =	sand.u32 $0x1, s1  }
0x8c: {  	s17 =	sshll.u32 s0, $0xA;
	s2 =	sadd.s32 s3, s2  }
0x8d: {  	s2 =	sadd.s32 s2, s17  }
0x8e: {  	[smem:$0x3FAE] =	sst s2  }
0x8f: {  	_ = 	snop  }
0x90: {  	s2 =	sld [smem:$0x3FD0];
	(tm) =	ssettm $0x1  }
0x91: {  	s18 =	sld [smem:$0x3FFB];
	_ =	sdelay $0x3  }
0x92: {  	_ =	strace s18  }
0x93: {  	s3 =	sld [smem:$0x3FFC];
	_ =	sdelay $0x3  }
0x94: {  	_ =	strace s3  }
0x95: {  	s3 =	sld [smem:$0x3FFD];
	_ =	sdelay $0x3  }
0x96: {  	_ =	strace s3  }
0x97: {  	_ =	strace $0x8FFFFFFF  }
0x98: {  	s19 =	sld [smem:$0x3FDB];
	_ =	sdelay $0x1  }
0x99: {  	s4 =	simm.s32 $_scs_section_size  }
0x9a: {  	s5 =	simm.s32 $_size__tile_overlayer_lowered;
	s6 =	simm.s32 $_tile_overlayer_lowered  }
0x9b: {  	s22 =	simm.s32 $0x1BFF;
	s21 =	sshll.u32 s6, $0x1;
	s3 =	sadd.s32 s4, s19  }
0x9c: {  	s7 =	simm.s32 $0x0;
	s20 =	sshll.u32 s5, $0x1;
	s5 =	sadd.s32 s21, s3  }
0x9d: {  	[timem:s7], [sflag:s22] =	dma.local [hbm:s5], s20  }
0x9e: {  	_ =	swait.ge [sflag:s22], s20  }
0x9f: {  	s4 =	ssub.s32 $0x0, s20;
	[sflag:s22] =	ssyncset.done $0x0  }
0xa0: {  	[sflag:s22] =	ssyncadd.s32 s4;
	_ =	sdelay $0x1  }
0xa1: {  	s23 =	simm.s32 $0x1B8B  }
0xa2: {  	_ =	swait.ge [sflag:s23], $0x1  }
0xa3: {  	[sflag:s23] =	ssyncset.done $0x0  }
0xa4: {  	s25 =	simm.s32 $0x1B8E;
	s24 =	sld [smem:$0x3FFE];
	[sflag:s23] =	ssyncadd.s32 $0xFFFFFFFF  }
0xa5: {  	s26 =	simm.s32 $execute0_lowered;
	[smem:$0x3FD2] =	sst s25  }
0xa6: {  	s5 =	sshll.u32 s26, $0x1;
	_ =	strace $0x80000046;
	[dreg:$0x1] =	wrdreg $0xFFFFFFFF  }
0xa7: {  	s28 =	simm.s32 $_size_execute0_lowered;
	s3 =	sadd.s32 s3, s5;
	[dreg:$0x0] =	wrdreg $0x0  }
0xa8: {  	s5 =	sshll.u32 s28, $0x1;
	[dreg:$0x2] =	wrdreg s3  }
0xa9: {  	[dreg:$0x3] =	wrdreg s5  }
0xaa: {  	[dreg:$0x4] =	wrdreg $0xC0  }
0xab: {  	_ =	task [dreg:s7], $0x5FFFF  }
0xac: {  	[dreg:$0x1] =	wrdreg $0xFFFFFFFF  }
0xad: {  	[dreg:$0x0] =	wrdreg $0x60  }
0xae: {  	[dreg:$0x2] =	wrdreg s24  }
0xaf: {  	[dreg:$0x3] =	wrdreg s2  }
0xb0: {  	[dreg:$0x4] =	wrdreg $0x9  }
0xb1: {  	_ =	task.clear_ibuf [dreg:s7], $0x5FFFF;
	_ =	strace $0x90000046  }
0xb2: {  	s29 =	simm.s32 $0x9;
	_ =	strace $0x80000048  }
0xb3: {  	_ =	swait.ge [sflag:s29], $0x1  }
0xb4: {  	[sflag:s29] =	ssyncadd.s32 $0xFFFFFFFF  }
0xb5: {  	_ =	strace $0x90000048  }
0xb6: {  	_ =	sfence  }
0xb7: {  	s30 =	sld [smem:$0x0];
	_ =	sdelay $0x2  }
0xb8: {  	s31 =	sshll.u32 s1, $0xD;
	s1 =	sshrl.u32 s1, $0x2  }
0xb9: {  	s3 =	sand.u32 $0x4000, s31;
	s1 =	sadd.s32 s1, s30  }
0xba: {  	s0 =	sor.u32 s3, s0;
	s1 =	sshll.u32 s1, $0x11  }
0xbb: {  	s0 =	sor.u32 s1, s0  }
0xbc: {  	s0 =	sadd.s32 $0x8F2B, s0  }
0xbd: {  	[sflag:s0] =	ssyncadd.remote.s32 $0x1  }
0xbe: {  	_ =	sfence.sel $0xFFFF  }
0xbf: {  	[dreg:$0x0] =	wrdreg $0xFFFFFFFF;
	(pc) =	sbr.abs _section_cstart, $3  }
0xc0: {  	[dreg:$0x1] =	wrdreg $0xFFFFFFFF  }
0xc1: {  	_ =	task.clear_ibuf [dreg:s7], $0x2FFFF;
	_ =	strace $0x9FFFFFFF  }
0xc2: {  	(tm) =	ssettm $0x7FFFFFFF  }
0xc3: {  	_ =	shalt  }
tec
execute0_lowered:
.L_overlay_start_1:
0x0: {  	(tag) =	ssettag $0x1  }
0x1: {  	s0 =	rddreg [dreg:$0x0]  }
0x2: {  	s1 =	rddreg [dreg:$0x1]  }
0x3: {  	s10 =	stileid.u32;
	s3 =	srdreg.scid;
	s2 =	simm.s32 $0x0  }
0x4: {  	s16 =	simm.s32 $0x2;
	s28 =	simm.s32 $0xE500;
	s29 =	simm.s32 $0xED00  }
0x5: {  	s30 =	simm.s32 $0x1;
	s31 =	simm.s32 $0x3;
	s6 =	sand.u32 $0x1, s3  }
0x6: {  	s20 =	sshll.u32 s10, $0x1;
	[smem:$0x7FF] =	sst s2;
	s9 =	smul.u32 $0x28000, s10  }
0x7: {  	s3 =	sadd.s32 $0x52600, s0;
	s4 =	sadd.s32 $0x2600, s0;
	s10 =	smul.u32 $0x5000, s10  }
0x8: {  	s5 =	sadd.s32 $0x82400, s0;
	s7 =	sor.u32 s6, s20;
	s13 =	smul.u32 $0x14000, s6  }
0x9: {  	_ =	strace $0x80000047;
	s11 =	ssub.s32 $0x2, s6;
	s25 =	smul.u32 $0x2800, s6  }
0xa: {  	s20 =	simm.s32 $0x5000;
	s8 =	smul.u32 $0x1400, s7;
	s21 =	sshrl.u32 s11, $0x1  }
0xb: {  	s12 =	sadd.s32 s9, s0;
	s7 =	sshll.u32 s7, $0x1;
	s11 =	ssub.s32 s11, s21  }
0xc: {  	s1 =	sadd.s32 s1, s7;
	s26 =	sadd.s32 s13, s12;
	s21 =	simm.s32 $0x3C00  }
0xd: {  	s8 =	sshrl.u32 s8, $0x3;
	[dreg:$0x6] =	wrdreg s1;
	s11 =	smax.u32 s11, $0x1  }
0xe: {  	s7 =	sadd.s32 $0x136400, s26;
	s6 =	sadd.s32 $0x3B6400, s26;
	s8 =	sadd.s32 s8, s0  }
0xf: {  	s26 =	simm.s32 $0xA500;
	s0 =	sadd.s32 s10, s0;
	s22 =	sadd.s32 $0x8C400, s8  }
.Ltmp0:
0x10: {  	s23 =	sadd.s32 $0x87400, s8;
	[dreg:$0x3] =	wrdreg s22;
	(pc) =	sbr.rel .LBB2_1-.Ltmp0, $4  }
0x11: {  	s24 =	sadd.s32 $0x91400, s8;
	s10 =	sadd.s32 $0x636400, s8;
	[dreg:$0x4] =	wrdreg s23  }
0x12: {  	s0 =	sadd.s32 s25, s0;
	s25 =	simm.s32 $0x6480;
	[dreg:$0x5] =	wrdreg s24  }
0x13: {  	s19 =	sadd.s32 $0x96400, s0;
	s18 =	sadd.s32 $0xE6400, s0;
	s22 =	simm.s32 $0x80  }
0x14: {  	s23 =	simm.s32 $0x6400;
	s24 =	simm.s32 $0x6500;
	s0 =	simm.s32 $0x0  }
.LBB2_7:
0x15: {  	s0 =	sadd.s32 $0x1, s0  }
0x16: {  	p0 =	sne.s32 s0, s11  }
.Ltmp1:
0x17: {  	_ = 	snop;
	(pc) =	sbr.rel @!p0 .LBB2_8-.Ltmp1, $1  }
0x18: {  	_ =	sdelay $0x3  }
.LBB2_1:
0x19: {  	s1 =	rddreg [dreg:$0x3]  }
0x1a: {  	[tilespmem:s2], [sflag:$0x2] =	stream.linear.gather [hbm4b:s1+s2], $0x1400, $0x38;
	[tilespmem:$0xF510] =	vst v63  }
0x1b: {  	_ =	swait.ge [sflag:s16], $0x1400  }
0x1c: {  	[sflag:s16] =	ssyncset.done $0x0  }
0x1d: {  	s8 =	simm.s32 $0x1400;
	s12 =	rddreg [dreg:$0x4];
	[sflag:s16] =	ssyncadd.s32 $0xFFFFEC00  }
0x1e: {  	[tilespmem:s8], [sflag:$0x2] =	stream.linear.gather [hbm4b:s12+s2], $0x1400, $0x38;
	[tilespmem:$0xF510] =	vst v63  }
0x1f: {  	_ =	swait.ge [sflag:s16], $0x1400  }
0x20: {  	[sflag:s16] =	ssyncset.done $0x0  }
0x21: {  	s14 =	simm.s32 $0x2800;
	s13 =	rddreg [dreg:$0x5];
	[sflag:s16] =	ssyncadd.s32 $0xFFFFEC00  }
0x22: {  	[tilespmem:s14], [sflag:$0x2] =	stream.linear.gather [hbm4b:s13+s2], $0x1400, $0x38;
	[tilespmem:$0xF510] =	vst v63  }
0x23: {  	_ =	swait.ge [sflag:s16], $0x1400  }
0x24: {  	[sflag:s16] =	ssyncset.done $0x0  }
0x25: {  	s17 =	simm.s32 $0xF500;
	s15 =	rddreg [dreg:$0x6];
	[sflag:s16] =	ssyncadd.s32 $0xFFFFEC00  }
0x26: {  	[tilespmem:s17], [sflag:$0x2] =	stream.linear.gather [hbm4b:s15+s2], $0x10, $0x38;
	[tilespmem:$0xF510] =	vst v63  }
0x27: {  	_ =	swait.ge [sflag:s16], $0x10  }
0x28: {  	[sflag:s16] =	ssyncset.done $0x0  }
0x29: {  	[sflag:s16] =	ssyncadd.s32 $0xFFFFFFF0  }
0x2a: {  	s8 =	simm.s32 $0x0;
	v1 =	vld [tilespmem:$0xF500]  }
0x2b: {  	v0 =	vld [tilespmem:s8+$0x2800]  }
0x2c: {  	s1 =	simm.s32 $0x40;
	v2 =	vld [tilespmem:s8+$0x1400]  }
.LBB2_2:
0x2d: {  	p0 =	sne.s32 s1, $0x4FC0;
	_ =	sdelay $0x1  }
0x2e: {  	v3 =	vld [tilespmem:s8+$0x0];
	_ =	sdelay $0x1  }
0x2f: {  	v2 =	vadd.s32 $0xFFFFE0C0, v2  }
0x30: {  	vm0 =	vlt.s32 v2, $0x0  }
.Ltmp2:
0x31: {  	v2 =	vsel vm0, $0x840, v2;
	(pc) =	sbr.rel @p0 .LBB2_2-.Ltmp2, $4  }
0x32: {  	v3 =	vsel vm0, $0x2780, v3;
	[tilespmem:v0+s20+$0x0] =	vst.idx.msk $0xffff, v2  }
0x33: {  	s8 =	sshra.s32 s1, $0x2;
	[tilespmem:v0+s21+$0x0] =	vst.idx.msk $0xffff, v3  }
0x34: {  	v0 =	vld [tilespmem:s8+$0x2800]  }
0x35: {  	s1 =	sadd.s32 $0x40, s1;
	v2 =	vld [tilespmem:s8+$0x1400]  }
0x36: {  	v1 =	vxor.u32 $0x80000000, v1  }
0x37: {  	(xrf0) =	vmax.scan.msk.u32 $0xffff, v1;
	_ =	sdelay $0x5  }
0x38: {  	v1, _, _ =	vpop (xrf0)  }
0x39: {  	(v2sf) =	vpush v1, $0xF;
	_ =	sdelay $0x5  }
0x3a: {  	v63 =	vld [tilespmem:s8+$0x0];
	_ =	sdelay $0x1  }
0x3b: {  	v2 =	vadd.s32 $0xFFFFE0C0, v2  }
0x3c: {  	vm0 =	vlt.s32 v2, $0x0  }
0x3d: {  	v2 =	vsel vm0, $0x840, v2  }
0x3e: {  	[tilespmem:v0+s20+$0x0] =	vst.idx.msk $0xffff, v2;
	v1 =	vsel vm0, $0x2780, v63  }
0x3f: {  	s1 =	simm.s32 $0x0;
	[tilespmem:v0+s21+$0x0] =	vst.idx.msk $0xffff, v1  }
0x40: {  	[hbm4b:s10+s1] =	stream.linear.scatter [tilespmem:s20], [sflag:$0x2], $0x1400, $0x38;
	[tilespmem:$0xF510] =	vst v63  }
.Ltmp3:
0x41: {  	_ = 	snop;
	(pc) =	sbr.rel .LBB2_4-.Ltmp3, $4  }
0x42: {  	s17 =	spop (v2sf)  }
0x43: {  	s15 =	smov.u32 s18;
	s14 =	smov.u32 s19;
	_ =	swait.ge [sflag:s16], $0x1400  }
0x44: {  	s13 =	smov.u32 s6;
	s12 =	smov.u32 s7;
	[sflag:s16] =	ssyncset.done $0x0  }
0x45: {  	s8 =	simm.s32 $0x0;
	s17 =	sxor.u32 $0x80000000, s17;
	[sflag:s16] =	ssyncadd.s32 $0xFFFFEC00  }
.LBB2_6:
0x46: {  	s8 =	sadd.s32 $0x200, s8  }
0x47: {  	p0 =	sne.s32 s8, $0x5000  }
.Ltmp4:
0x48: {  	_ = 	snop;
	(pc) =	sbr.rel @!p0 .LBB2_7-.Ltmp4, $3  }
0x49: {  	_ =	sdelay $0x1  }
0x4a: {  	s1 =	sadd.s32 $0x80, s1;
	s12 =	sadd.s32 $0x800, s12  }
0x4b: {  	s13 =	sadd.s32 $0x800, s13;
	s14 =	sadd.s32 $0x100, s14;
	s15 =	sadd.s32 $0x100, s15  }
.LBB2_4:
0x4c: {  	p0 =	sge.s32 s1, s17  }
.Ltmp5:
0x4d: {  	_ = 	snop;
	(pc) =	sbr.rel @p0 .LBB2_6-.Ltmp5, $1  }
0x4e: {  	_ =	sdelay $0x3  }
0x4f: {  	s9 =	sshra.s32 s8, $0x2  }
0x50: {  	v0 =	vld [tilespmem:s9+$0x3C00];
	_ =	sdelay $0x4  }
0x51: {  	[tilespmem:$0x6400] =	vst v0  }
0x52: {  	v0 =	vld [tilespmem:s9+$0x5000];
	_ =	sdelay $0x4  }
0x53: {  	v0 =	vadd.s32 $0x1F40, v0  }
0x54: {  	[tilespmem:$0x6480] =	vst v0  }
0x55: {  	v0 =	vld [tilespmem:s9+$0x3C10];
	_ =	sdelay $0x4  }
0x56: {  	[tilespmem:$0x6410] =	vst v0  }
0x57: {  	v0 =	vld [tilespmem:s9+$0x5010];
	_ =	sdelay $0x4  }
0x58: {  	v0 =	vadd.s32 $0x1F40, v0  }
0x59: {  	[tilespmem:$0x6490] =	vst v0  }
0x5a: {  	v0 =	vld [tilespmem:s9+$0x3C20];
	_ =	sdelay $0x4  }
0x5b: {  	[tilespmem:$0x6420] =	vst v0  }
0x5c: {  	v0 =	vld [tilespmem:s9+$0x5020];
	_ =	sdelay $0x4  }
0x5d: {  	v0 =	vadd.s32 $0x1F40, v0  }
0x5e: {  	[tilespmem:$0x64A0] =	vst v0  }
0x5f: {  	v0 =	vld [tilespmem:s9+$0x3C30];
	_ =	sdelay $0x4  }
0x60: {  	[tilespmem:$0x6430] =	vst v0  }
0x61: {  	v0 =	vld [tilespmem:s9+$0x5030];
	_ =	sdelay $0x4  }
0x62: {  	v0 =	vadd.s32 $0x1F40, v0  }
0x63: {  	[tilespmem:$0x64B0] =	vst v0  }
0x64: {  	v0 =	vld [tilespmem:s9+$0x3C40];
	_ =	sdelay $0x4  }
0x65: {  	[tilespmem:$0x6440] =	vst v0  }
0x66: {  	v0 =	vld [tilespmem:s9+$0x5040];
	_ =	sdelay $0x4  }
0x67: {  	v0 =	vadd.s32 $0x1F40, v0  }
0x68: {  	[tilespmem:$0x64C0] =	vst v0  }
0x69: {  	v0 =	vld [tilespmem:s9+$0x3C50];
	_ =	sdelay $0x4  }
0x6a: {  	[tilespmem:$0x6450] =	vst v0  }
0x6b: {  	v0 =	vld [tilespmem:s9+$0x5050];
	_ =	sdelay $0x4  }
0x6c: {  	v0 =	vadd.s32 $0x1F40, v0  }
0x6d: {  	[tilespmem:$0x64D0] =	vst v0  }
0x6e: {  	v0 =	vld [tilespmem:s9+$0x3C60];
	_ =	sdelay $0x4  }
0x6f: {  	[tilespmem:$0x6460] =	vst v0  }
0x70: {  	v0 =	vld [tilespmem:s9+$0x5060];
	_ =	sdelay $0x4  }
0x71: {  	v0 =	vadd.s32 $0x1F40, v0  }
0x72: {  	[tilespmem:$0x64E0] =	vst v0  }
0x73: {  	v0 =	vld [tilespmem:s9+$0x3C70];
	_ =	sdelay $0x4  }
0x74: {  	[tilespmem:$0x6470] =	vst v0  }
0x75: {  	v0 =	vld [tilespmem:s9+$0x5070];
	_ =	sdelay $0x4  }
0x76: {  	v0 =	vadd.s32 $0x1F40, v0  }
0x77: {  	[tilespmem:$0x64F0] =	vst v0  }
0x78: {  	[tilespmem:s24], [sflag:$0x1] =	stream.indirect.gather [hbm4b:s3+s22], $0x80, s23, s22, $0xb8;
	[tilespmem:$0xF510] =	vst v63  }
0x79: {  	_ = 	snop  }
0x7a: {  	[tilespmem:s26], [sflag:$0x1] =	stream.indirect.gather [hbm4b:s4+s22], $0x80, s25, s22, $0xb8;
	[tilespmem:$0xF510] =	vst v63  }
0x7b: {  	_ = 	snop  }
0x7c: {  	[tilespmem:s28], [sflag:$0x1] =	stream.indirect.gather [hbm4b:s5+s22], $0x10, s23, s22, $0xb8;
	[tilespmem:$0xF510] =	vst v63  }
0x7d: {  	_ = 	snop  }
0x7e: {  	[tilespmem:s29], [sflag:$0x1] =	stream.indirect.gather [hbm4b:s5+s22], $0x10, s25, s22, $0xb8;
	[tilespmem:$0xF510] =	vst v63  }
0x7f: {  	_ =	swait.ge [sflag:s30], $0x4000  }
0x80: {  	[sflag:s30] =	ssyncset.done $0x0  }
0x81: {  	[sflag:s30] =	ssyncadd.s32 $0xFFFFC000  }
0x82: {  	_ =	swait.ge [sflag:s30], $0x4000  }
0x83: {  	[sflag:s30] =	ssyncset.done $0x0  }
0x84: {  	[sflag:s30] =	ssyncadd.s32 $0xFFFFC000  }
0x85: {  	_ =	swait.ge [sflag:s30], $0x800  }
0x86: {  	[sflag:s30] =	ssyncset.done $0x0  }
0x87: {  	[sflag:s30] =	ssyncadd.s32 $0xFFFFF800  }
0x88: {  	_ =	swait.ge [sflag:s30], $0x800  }
0x89: {  	[sflag:s30] =	ssyncset.done $0x0  }
0x8a: {  	[sflag:s30] =	ssyncadd.s32 $0xFFFFF800  }
0x8b: {  	[hbm4b:s12+s2] =	stream.linear.scatter [tilespmem:s24], [sflag:$0x3], $0x4000, $0x38;
	[tilespmem:$0xF510] =	vst v63  }
0x8c: {  	_ =	swait.ge [sflag:s31], $0x4000  }
0x8d: {  	[sflag:s31] =	ssyncset.done $0x0  }
0x8e: {  	[sflag:s31] =	ssyncadd.s32 $0xFFFFC000  }
0x8f: {  	[hbm4b:s13+s2] =	stream.linear.scatter [tilespmem:s26], [sflag:$0x3], $0x4000, $0x38;
	[tilespmem:$0xF510] =	vst v63  }
0x90: {  	_ =	swait.ge [sflag:s31], $0x4000  }
0x91: {  	[sflag:s31] =	ssyncset.done $0x0  }
0x92: {  	[sflag:s31] =	ssyncadd.s32 $0xFFFFC000  }
0x93: {  	[hbm4b:s14+s2] =	stream.linear.scatter [tilespmem:s28], [sflag:$0x3], $0x800, $0x38;
	[tilespmem:$0xF510] =	vst v63  }
0x94: {  	_ =	swait.ge [sflag:s31], $0x800  }
0x95: {  	[sflag:s31] =	ssyncset.done $0x0  }
.Ltmp6:
0x96: {  	[sflag:s31] =	ssyncadd.s32 $0xFFFFF800;
	(pc) =	sbr.rel .LBB2_6-.Ltmp6, $4  }
0x97: {  	[hbm4b:s15+s2] =	stream.linear.scatter [tilespmem:s29], [sflag:$0x2], $0x800, $0x38;
	[tilespmem:$0xF510] =	vst v63  }
0x98: {  	_ =	swait.ge [sflag:s16], $0x800  }
0x99: {  	[sflag:s16] =	ssyncset.done $0x0  }
0x9a: {  	[sflag:s16] =	ssyncadd.s32 $0xFFFFF800  }
.LBB2_8:
0x9b: {  	_ =	sfence.sel $0x180000  }
0x9c: {  	[bflag:$0x0] =	sbarrier.arrive $0xFFFF  }
0x9d: {  	_ =	strace $0x90000047  }
0x9e: {  	s0 =	stileid.u32;
	[bflag:$0x2] =	sbarrier.arrive $0xFFFF  }
0x9f: {  	p0 =	sne.s32 s0, $0x0;
	s0 =	rddreg [dreg:$0x2]  }
0xa0: {  	s0 =	sadd.s32 @!p0 $0x100000, s0  }
0xa1: {  	[sflag:s0] =	ssyncadd.tile.s32 @!p0 $0x1;
	_ =	shalt  }
.Lfunc_end2:
_tile_overlayer_lowered:
.L_overlay_start_2:
0xa2: {  	(tag) =	ssettag $0x2  }
0xa3: {  	s0 =	rddreg [dreg:$0x0];
	s2 =	stileid.u32  }
0xa4: {  	s1 =	rddreg [dreg:$0x1];
	p0 =	sne.s32 s2, $0x0  }
0xa5: {  	s3 =	rddreg [dreg:$0x2];
	[bflag:$0x3] =	sbarrier.arrive $0xFFFF;
	s2 =	simm.s32 @!p0 $0x1C02  }
0xa6: {  	[timem:s3], [sflag:s2] =	dma.local @!p0 [hbm:s0], s1  }
0xa7: {  	s0 =	simm.s32 @!p0 $0x2  }
0xa8: {  	_ =	swait.ge @!p0 [sflag:s0], s1  }
0xa9: {  	s1 =	ssub.s32 @!p0 $0x0, s1;
	[sflag:s0] =	ssyncset.done @!p0 $0x0  }
0xaa: {  	[sflag:s0] =	ssyncadd.s32 @!p0 s1  }
0xab: {  	[bflag:$0x3] =	sbarrier.arrive $0xFFFF  }
0xac: {  	_ =	shalt  }

</sc_bundles>
